<compile_context>
chip_gen: v7x
topology: tpu7x:2x2x1
jax: 0.10.2.dev20260603
libtpu: 0.0.44.dev20260713+nightly
codegen_flags: <defaults>
</compile_context>

<pallas_src>
import functools

import jax
import jax.numpy as jnp
from jax import lax
from jax.experimental import pallas as pl
from jax.experimental.pallas import tpu as pltpu
from jax.experimental.pallas import tpu_sc as plsc

N = 10000
E = 320000
D = 128
NC = 2
NS = 16
NW = NC * NS
CH = 128
EPW = E // NW
CHK0 = 103
CHK1 = 54
NCOL = max(CHK0, CHK1)
NPAD = 10240
RPT = NPAD // NS
ZC = RPT // CH
RB = 512
GRID = NPAD // RB

_mesh = plsc.VectorSubcoreMesh(core_axis_name="c", subcore_axis_name="s",
                               num_cores=NC, num_subcores=NS)


def _deg_body(dst_hbm, out_hbm, idx_v, acc_v, sem):
    c = lax.axis_index("c")
    s = lax.axis_index("s")
    wid = c * NS + s
    ones = jnp.ones((16,), jnp.float32)

    def _z(i, _):
        acc_v[pl.ds(i * 16, 16)] = jnp.zeros((16,), jnp.float32)
        return 0

    lax.fori_loop(0, NPAD // 16, _z, 0)
    pltpu.sync_copy(dst_hbm.at[wid], idx_v)

    def _step(g, _):
        idx = idx_v[g // (CH // 16), pl.ds((g % (CH // 16)) * 16, 16)]
        plsc.addupdate_scatter(acc_v, [idx], ones)
        return 0

    lax.fori_loop(0, NCOL * (CH // 16), _step, 0)
    pltpu.sync_copy(acc_v, out_hbm.at[wid])


_deg_call = pl.kernel(
    _deg_body,
    out_type=jax.ShapeDtypeStruct((NW, NPAD), jnp.float32),
    mesh=_mesh,
    scratch_types=[
        pltpu.VMEM((NCOL, CH), jnp.int32),
        pltpu.VMEM((NPAD,), jnp.float32),
        pltpu.SemaphoreType.DMA,
    ],
    compiler_params=pltpu.CompilerParams(needs_layout_passes=False),
)


def _agg_body(h_hbm, ei_hbm, out_hbm, idx_v, rows_v, acc_sh, sem):
    c = lax.axis_index("c")
    s = lax.axis_index("s")
    wid = c * NS + s

    def _zrow(i, _):
        def _z16(k, _):
            rows_v[i, pl.ds(k * 16, 16)] = jnp.zeros((16,), jnp.float32)
            return 0
        lax.fori_loop(0, D // 16, _z16, 0)
        return 0

    lax.fori_loop(0, CH, _zrow, 0)
    for k in range(ZC):
        pltpu.sync_copy(rows_v, acc_sh.at[pl.ds(s * RPT + k * CH, CH)])
    plsc.subcore_barrier()

    nch = jnp.where(c == 0, CHK0, CHK1)

    def _step(j, _):
        pltpu.sync_copy(ei_hbm.at[wid, j], idx_v)
        pltpu.async_copy(h_hbm.at[idx_v.at[0]], rows_v, sem).wait()
        pltpu.sync_copy(rows_v, acc_sh.at[idx_v.at[1]], add=True)
        return 0

    lax.fori_loop(0, nch, _step, 0)
    plsc.subcore_barrier()
    pltpu.sync_copy(acc_sh.at[pl.ds(s * RPT, RPT)],
                    out_hbm.at[c, pl.ds(s * RPT, RPT)])


_agg_call = pl.kernel(
    _agg_body,
    out_type=jax.ShapeDtypeStruct((NC, NPAD, D), jnp.float32),
    mesh=_mesh,
    scratch_types=[
        pltpu.VMEM((2, CH), jnp.int32),
        pltpu.VMEM((CH, D), jnp.float32),
        pltpu.VMEM_SHARED((NPAD, D), jnp.float32),
        pltpu.SemaphoreType.DMA,
    ],
    compiler_params=pltpu.CompilerParams(needs_layout_passes=False),
)


def _dis_from(deg_blk):
    deg = jnp.sum(deg_blk, axis=0) + 1.0
    return lax.rsqrt(deg).reshape(RB, 1)


def _tc1_body(x_ref, w_ref, deg_ref, o_ref):
    dis = _dis_from(deg_ref[...])
    o_ref[...] = jnp.dot(x_ref[...], w_ref[...],
                         preferred_element_type=jnp.float32) * dis


def _tc2_body(acc_ref, hp_ref, deg_ref, b_ref, w_ref, o_ref):
    dis = _dis_from(deg_ref[...])
    agg = acc_ref[0] + acc_ref[1] + hp_ref[...]
    out1 = jnp.maximum(dis * agg + b_ref[...], 0.0)
    o_ref[...] = jnp.dot(out1, w_ref[...],
                         preferred_element_type=jnp.float32) * dis


def _tc3_body(acc_ref, hp_ref, deg_ref, b_ref, o_ref):
    dis = _dis_from(deg_ref[...])
    o_ref[...] = dis * (acc_ref[0] + acc_ref[1] + hp_ref[...]) + b_ref[...]


_deg_spec = pl.BlockSpec((NW, RB), lambda i: (0, i))
_acc_spec = pl.BlockSpec((2, RB, D), lambda i: (0, i, 0))
_row_spec = pl.BlockSpec((RB, D), lambda i: (i, 0))
_mat_spec = pl.BlockSpec((D, D), lambda i: (0, 0))
_vec_spec = pl.BlockSpec((1, D), lambda i: (0, 0))
_f32 = functools.partial(jax.ShapeDtypeStruct, dtype=jnp.float32)

_tc1_call = pl.pallas_call(
    _tc1_body, grid=(GRID,),
    in_specs=[_row_spec, _mat_spec, _deg_spec],
    out_specs=_row_spec, out_shape=_f32(shape=(NPAD, D)))

_tc2_call = pl.pallas_call(
    _tc2_body, grid=(GRID,),
    in_specs=[_acc_spec, _row_spec, _deg_spec, _vec_spec, _mat_spec],
    out_specs=_row_spec, out_shape=_f32(shape=(NPAD, D)))

_tc3_call = pl.pallas_call(
    _tc3_body, grid=(GRID,),
    in_specs=[_acc_spec, _row_spec, _deg_spec, _vec_spec],
    out_specs=_row_spec, out_shape=_f32(shape=(NPAD, D)))


@jax.jit
def _run(x, ei, dst, W1, b1, W2, b2):
    degacc = _deg_call(dst)
    hp1 = _tc1_call(x, W1, degacc)
    acc1 = _agg_call(hp1, ei)
    hp2 = _tc2_call(acc1, hp1, degacc, b1.reshape(1, D), W2)
    acc2 = _agg_call(hp2, ei)
    return _tc3_call(acc2, hp2, degacc, b2.reshape(1, D))


def kernel(x, edge_index, W1, b1, W2, b2):
    x = jnp.concatenate([x, jnp.zeros((NPAD - N, D), jnp.float32)])
    src = edge_index[0].astype(jnp.int32)
    dst = edge_index[1].astype(jnp.int32)
    epad = NS * (CHK0 + CHK1) * CH
    src = jnp.concatenate([src, jnp.zeros((epad - E,), jnp.int32)])
    pad_d = N + (jnp.arange(epad - E, dtype=jnp.int32) % (NPAD - N))
    dst = jnp.concatenate([dst, pad_d])

    def _part(flat):
        e0 = NS * CHK0 * CH
        p0 = flat[:e0].reshape(NS, CHK0, CH)
        p1 = flat[e0:].reshape(NS, CHK1, CH)
        pv = jnp.broadcast_to(
            (N + jnp.arange(CH, dtype=jnp.int32) % (NPAD - N))[None, None, :],
            (NS, NCOL - min(CHK0, CHK1), CH))
        if CHK0 < CHK1:
            p0 = jnp.concatenate([p0, pv[:, :NCOL - CHK0]], axis=1)
        elif CHK1 < CHK0:
            p1 = jnp.concatenate([p1, pv[:, :NCOL - CHK1]], axis=1)
        return jnp.concatenate([p0, p1], axis=0)

    src = _part(src)
    dst = _part(dst)
    ei = jnp.stack([src, dst], axis=2)
    return _run(x, ei, dst, W1, b1, W2, b2)[:N]

# --- scband reference (transcript-rebuilt; emitter-appended) ---
"""Pipeline reference for scband-gcn-block-17222818857159 (READ-ONLY COPY).

The authoritative reference and input builder live on the scoring server;
editing this copy changes nothing except your own understanding.
"""

import jax, jax.numpy as jnp
import numpy as np

N_NODES = 10000
N_EDGES = 320000
D_IN = 128
D_OUT = 128


def setup_inputs(seed: int = 0) -> dict:
    key = jax.random.key(seed)
    k1, k2, k3, k4, k5, k6 = jax.random.split(key, 6)
    x = jax.random.normal(k1, (N_NODES, D_IN), dtype=jnp.float32)
    edge_index = jax.random.randint(k2, (2, N_EDGES), 0, N_NODES, dtype=jnp.int64)
    # GCNConv uses glorot init on weight, zeros on bias
    s1 = float(np.sqrt(6.0 / (D_IN + D_OUT)))
    s2 = float(np.sqrt(6.0 / (D_OUT + D_OUT)))
    W1 = jax.random.uniform(k3, (D_IN, D_OUT), minval=-s1, maxval=s1, dtype=jnp.float32)
    b1 = jnp.zeros((D_OUT,), dtype=jnp.float32)
    W2 = jax.random.uniform(k4, (D_OUT, D_OUT), minval=-s2, maxval=s2, dtype=jnp.float32)
    b2 = jnp.zeros((D_OUT,), dtype=jnp.float32)
    return {"x": x, "edge_index": edge_index, "W1": W1, "b1": b1, "W2": W2, "b2": b2}


def _gcn_conv(x, edge_index, W, b):
    # PyG GCNConv, improved=False, add_self_loops=True, edge_weight=None
    n = x.shape[0]
    src = edge_index[0]
    dst = edge_index[1]
    loop = jnp.arange(n, dtype=src.dtype)
    src = jnp.concatenate([src, loop])
    dst = jnp.concatenate([dst, loop])
    ew = jnp.ones(src.shape[0], dtype=x.dtype)
    deg = jax.ops.segment_sum(ew, dst, num_segments=n)
    deg_inv_sqrt = jnp.where(deg > 0, 1.0 / jnp.sqrt(deg), 0.0)
    norm = deg_inv_sqrt[src] * ew * deg_inv_sqrt[dst]
    h = x @ W
    msg = h[src] * norm[:, None]
    out = jax.ops.segment_sum(msg, dst, num_segments=n)
    return out + b


def reference(x, edge_index, W1, b1, W2, b2):
    h = _gcn_conv(x, edge_index, W1, b1)
    h = jax.nn.relu(h)
    h = _gcn_conv(h, edge_index, W2, b2)
    return h

if __name__ == "__main__":
    import jax
    _d = setup_inputs()
    print(jax.jit(kernel)(*tuple(_d.values())))

</pallas_src>

<mosaic_0001>
#map = affine_map<(d0, d1) -> (0, 0)>
#map1 = affine_map<(d0, d1) -> (0, 0, 0, 0)>
#map2 = affine_map<(d0, d1) -> (0, 0, 0)>
module attributes {stable_mosaic.version = 14 : i64} {
  func.func @_agg_body(%arg0: i32, %arg1: i32, %arg2: memref<10240x128xf32, #tpu.memory_space<hbm>>, %arg3: memref<32x103x2x128xi32, #tpu.memory_space<hbm>>, %arg4: memref<2x10240x128xf32, #tpu.memory_space<hbm>>, %arg5: memref<2x128xi32, #tpu.memory_space<vmem>>, %arg6: memref<128x128xf32, #tpu.memory_space<vmem>>, %arg7: memref<10240x128xf32, #tpu.memory_space<vmem_shared>>, %arg8: memref<!tpu.dma_semaphore, #tpu.memory_space<semaphore_mem>>) attributes {dimension_semantics = [#tpu.dimension_semantics<core_parallel>, #tpu.dimension_semantics<subcore_parallel>], iteration_bounds = array<i64: 2, 16>, scalar_prefetch = 0 : i64, scratch_operands = 4 : i64, tpu.core_type = #tpu.core_type<sc_vector_subcore>, window_params = [{transform_indices = #map}, {transform_indices = #map1}, {transform_indices = #map2}]} {
    %mul3A = arith.constant 16 : i32
    %mul3A_0 = arith.muli %arg0, %mul3A : i32
    %add3A = arith.addi %mul3A_0, %arg1 : i32
    %scan3A = arith.constant 0 : i32
    %scan3A_1 = arith.constant 0 : i32
    %scan3A_2 = arith.constant 128 : i32
    %scan3A_3 = arith.addi %scan3A_1, %scan3A_2 : i32
    %scan3A_4 = arith.constant 1 : i32
    %scan3A_5 = scf.for %scan3A_45 = %scan3A_1 to %scan3A_3 step %scan3A_4 iter_args(%scan3A_46 = %scan3A) -> (i32)  : i32 {
      %scan3A_47 = arith.constant 0 : i32
      %scan3A_48 = arith.constant 0 : i32
      %scan3A_49 = arith.constant 8 : i32
      %scan3A_50 = arith.addi %scan3A_48, %scan3A_49 : i32
      %scan3A_51 = arith.constant 1 : i32
      %scan3A_52 = scf.for %scan3A_55 = %scan3A_48 to %scan3A_50 step %scan3A_51 iter_args(%scan3A_56 = %scan3A_47) -> (i32)  : i32 {
        %broadcast_in_dim3A = arith.constant 0.000000e+00 : f32
        %broadcast_in_dim3A_57 = vector.broadcast %broadcast_in_dim3A : f32 to vector<16xf32>
        %mul3A_58 = arith.constant 16 : i32
        %mul3A_59 = arith.muli %scan3A_55, %mul3A_58 : i32
        %swap3A = arith.index_cast %scan3A_45 : i32 to index
        %swap3A_60 = arith.index_cast %mul3A_59 : i32 to index
        %swap3A_61 = tpu.vector_load %arg6[%swap3A, %swap3A_60] {strides = array<i32>} : memref<128x128xf32, #tpu.memory_space<vmem>>, vector<16xf32>,
        tpu.vector_store %arg6[%swap3A, %swap3A_60], %broadcast_in_dim3A_57 {strides = array<i32>} : memref<128x128xf32, #tpu.memory_space<vmem>>, vector<16xf32>,
        %scan3A_62 = arith.constant 0 : i32
        scf.yield %scan3A_62 : i32
      }
      %scan3A_53 = arith.constant 8 : i32
      %scan3A_54 = arith.constant 0 : i32
      scf.yield %scan3A_54 : i32
    }
    %scan3A_6 = arith.constant 128 : i32
    %mul3A_7 = arith.constant 640 : i32
    %mul3A_8 = arith.muli %arg1, %mul3A_7 : i32
    %add3A_9 = arith.constant 0 : i32
    %add3A_10 = arith.addi %mul3A_8, %add3A_9 : i32
    "tpu.region"() ({
      %run_scoped3A = tpu.sem_alloc : memref<!tpu.dma_semaphore, #tpu.memory_space<semaphore_mem>>
      %dma_start3A = arith.constant 0 : i32
      %dma_start3A_45 = tpu.memref_slice %arg7[%add3A_10, %dma_start3A] : memref<10240x128xf32, #tpu.memory_space<vmem_shared>> -> memref<128x128xf32, #tpu.memory_space<vmem_shared>>
      %dma_start3A_46 = arith.constant 0 : i32
      %dma_start3A_47 = tpu.memref_slice %arg7[%add3A_10, %dma_start3A_46] : memref<10240x128xf32, #tpu.memory_space<vmem_shared>> -> memref<128x128xf32, #tpu.memory_space<vmem_shared>>
      tpu.enqueue_dma source(%arg6 : memref<128x128xf32, #tpu.memory_space<vmem>>) target(%dma_start3A_47 : memref<128x128xf32, #tpu.memory_space<vmem_shared>>) target_semaphore(%run_scoped3A : memref<!tpu.dma_semaphore, #tpu.memory_space<semaphore_mem>>)
      %dma_wait3A = arith.constant 0 : i32
      %dma_wait3A_48 = tpu.memref_slice %arg7[%add3A_10, %dma_wait3A] : memref<10240x128xf32, #tpu.memory_space<vmem_shared>> -> memref<128x128xf32, #tpu.memory_space<vmem_shared>>
      %dma_wait3A_49 = arith.constant 0 : i32
      %dma_wait3A_50 = tpu.memref_slice %arg7[%add3A_10, %dma_wait3A_49] : memref<10240x128xf32, #tpu.memory_space<vmem_shared>> -> memref<128x128xf32, #tpu.memory_space<vmem_shared>>
      tpu.wait_dma2 semaphore(%run_scoped3A : memref<!tpu.dma_semaphore, #tpu.memory_space<semaphore_mem>>) src(%arg6 : memref<128x128xf32, #tpu.memory_space<vmem>>) dst(%dma_wait3A_50 : memref<128x128xf32, #tpu.memory_space<vmem_shared>>)
      tpu.yield
    }) : () -> ()
    %mul3A_11 = arith.constant 640 : i32
    %mul3A_12 = arith.muli %arg1, %mul3A_11 : i32
    %add3A_13 = arith.constant 128 : i32
    %add3A_14 = arith.addi %mul3A_12, %add3A_13 : i32
    "tpu.region"() ({
      %run_scoped3A = tpu.sem_alloc : memref<!tpu.dma_semaphore, #tpu.memory_space<semaphore_mem>>
      %dma_start3A = arith.constant 0 : i32
      %dma_start3A_45 = tpu.memref_slice %arg7[%add3A_14, %dma_start3A] : memref<10240x128xf32, #tpu.memory_space<vmem_shared>> -> memref<128x128xf32, #tpu.memory_space<vmem_shared>>
      %dma_start3A_46 = arith.constant 0 : i32
      %dma_start3A_47 = tpu.memref_slice %arg7[%add3A_14, %dma_start3A_46] : memref<10240x128xf32, #tpu.memory_space<vmem_shared>> -> memref<128x128xf32, #tpu.memory_space<vmem_shared>>
      tpu.enqueue_dma source(%arg6 : memref<128x128xf32, #tpu.memory_space<vmem>>) target(%dma_start3A_47 : memref<128x128xf32, #tpu.memory_space<vmem_shared>>) target_semaphore(%run_scoped3A : memref<!tpu.dma_semaphore, #tpu.memory_space<semaphore_mem>>)
      %dma_wait3A = arith.constant 0 : i32
      %dma_wait3A_48 = tpu.memref_slice %arg7[%add3A_14, %dma_wait3A] : memref<10240x128xf32, #tpu.memory_space<vmem_shared>> -> memref<128x128xf32, #tpu.memory_space<vmem_shared>>
      %dma_wait3A_49 = arith.constant 0 : i32
      %dma_wait3A_50 = tpu.memref_slice %arg7[%add3A_14, %dma_wait3A_49] : memref<10240x128xf32, #tpu.memory_space<vmem_shared>> -> memref<128x128xf32, #tpu.memory_space<vmem_shared>>
      tpu.wait_dma2 semaphore(%run_scoped3A : memref<!tpu.dma_semaphore, #tpu.memory_space<semaphore_mem>>) src(%arg6 : memref<128x128xf32, #tpu.memory_space<vmem>>) dst(%dma_wait3A_50 : memref<128x128xf32, #tpu.memory_space<vmem_shared>>)
      tpu.yield
    }) : () -> ()
    %mul3A_15 = arith.constant 640 : i32
    %mul3A_16 = arith.muli %arg1, %mul3A_15 : i32
    %add3A_17 = arith.constant 256 : i32
    %add3A_18 = arith.addi %mul3A_16, %add3A_17 : i32
    "tpu.region"() ({
      %run_scoped3A = tpu.sem_alloc : memref<!tpu.dma_semaphore, #tpu.memory_space<semaphore_mem>>
      %dma_start3A = arith.constant 0 : i32
      %dma_start3A_45 = tpu.memref_slice %arg7[%add3A_18, %dma_start3A] : memref<10240x128xf32, #tpu.memory_space<vmem_shared>> -> memref<128x128xf32, #tpu.memory_space<vmem_shared>>
      %dma_start3A_46 = arith.constant 0 : i32
      %dma_start3A_47 = tpu.memref_slice %arg7[%add3A_18, %dma_start3A_46] : memref<10240x128xf32, #tpu.memory_space<vmem_shared>> -> memref<128x128xf32, #tpu.memory_space<vmem_shared>>
      tpu.enqueue_dma source(%arg6 : memref<128x128xf32, #tpu.memory_space<vmem>>) target(%dma_start3A_47 : memref<128x128xf32, #tpu.memory_space<vmem_shared>>) target_semaphore(%run_scoped3A : memref<!tpu.dma_semaphore, #tpu.memory_space<semaphore_mem>>)
      %dma_wait3A = arith.constant 0 : i32
      %dma_wait3A_48 = tpu.memref_slice %arg7[%add3A_18, %dma_wait3A] : memref<10240x128xf32, #tpu.memory_space<vmem_shared>> -> memref<128x128xf32, #tpu.memory_space<vmem_shared>>
      %dma_wait3A_49 = arith.constant 0 : i32
      %dma_wait3A_50 = tpu.memref_slice %arg7[%add3A_18, %dma_wait3A_49] : memref<10240x128xf32, #tpu.memory_space<vmem_shared>> -> memref<128x128xf32, #tpu.memory_space<vmem_shared>>
      tpu.wait_dma2 semaphore(%run_scoped3A : memref<!tpu.dma_semaphore, #tpu.memory_space<semaphore_mem>>) src(%arg6 : memref<128x128xf32, #tpu.memory_space<vmem>>) dst(%dma_wait3A_50 : memref<128x128xf32, #tpu.memory_space<vmem_shared>>)
      tpu.yield
    }) : () -> ()
    %mul3A_19 = arith.constant 640 : i32
    %mul3A_20 = arith.muli %arg1, %mul3A_19 : i32
    %add3A_21 = arith.constant 384 : i32
    %add3A_22 = arith.addi %mul3A_20, %add3A_21 : i32
    "tpu.region"() ({
      %run_scoped3A = tpu.sem_alloc : memref<!tpu.dma_semaphore, #tpu.memory_space<semaphore_mem>>
      %dma_start3A = arith.constant 0 : i32
      %dma_start3A_45 = tpu.memref_slice %arg7[%add3A_22, %dma_start3A] : memref<10240x128xf32, #tpu.memory_space<vmem_shared>> -> memref<128x128xf32, #tpu.memory_space<vmem_shared>>
      %dma_start3A_46 = arith.constant 0 : i32
      %dma_start3A_47 = tpu.memref_slice %arg7[%add3A_22, %dma_start3A_46] : memref<10240x128xf32, #tpu.memory_space<vmem_shared>> -> memref<128x128xf32, #tpu.memory_space<vmem_shared>>
      tpu.enqueue_dma source(%arg6 : memref<128x128xf32, #tpu.memory_space<vmem>>) target(%dma_start3A_47 : memref<128x128xf32, #tpu.memory_space<vmem_shared>>) target_semaphore(%run_scoped3A : memref<!tpu.dma_semaphore, #tpu.memory_space<semaphore_mem>>)
      %dma_wait3A = arith.constant 0 : i32
      %dma_wait3A_48 = tpu.memref_slice %arg7[%add3A_22, %dma_wait3A] : memref<10240x128xf32, #tpu.memory_space<vmem_shared>> -> memref<128x128xf32, #tpu.memory_space<vmem_shared>>
      %dma_wait3A_49 = arith.constant 0 : i32
      %dma_wait3A_50 = tpu.memref_slice %arg7[%add3A_22, %dma_wait3A_49] : memref<10240x128xf32, #tpu.memory_space<vmem_shared>> -> memref<128x128xf32, #tpu.memory_space<vmem_shared>>
      tpu.wait_dma2 semaphore(%run_scoped3A : memref<!tpu.dma_semaphore, #tpu.memory_space<semaphore_mem>>) src(%arg6 : memref<128x128xf32, #tpu.memory_space<vmem>>) dst(%dma_wait3A_50 : memref<128x128xf32, #tpu.memory_space<vmem_shared>>)
      tpu.yield
    }) : () -> ()
    %mul3A_23 = arith.constant 640 : i32
    %mul3A_24 = arith.muli %arg1, %mul3A_23 : i32
    %add3A_25 = arith.constant 512 : i32
    %add3A_26 = arith.addi %mul3A_24, %add3A_25 : i32
    "tpu.region"() ({
      %run_scoped3A = tpu.sem_alloc : memref<!tpu.dma_semaphore, #tpu.memory_space<semaphore_mem>>
      %dma_start3A = arith.constant 0 : i32
      %dma_start3A_45 = tpu.memref_slice %arg7[%add3A_26, %dma_start3A] : memref<10240x128xf32, #tpu.memory_space<vmem_shared>> -> memref<128x128xf32, #tpu.memory_space<vmem_shared>>
      %dma_start3A_46 = arith.constant 0 : i32
      %dma_start3A_47 = tpu.memref_slice %arg7[%add3A_26, %dma_start3A_46] : memref<10240x128xf32, #tpu.memory_space<vmem_shared>> -> memref<128x128xf32, #tpu.memory_space<vmem_shared>>
      tpu.enqueue_dma source(%arg6 : memref<128x128xf32, #tpu.memory_space<vmem>>) target(%dma_start3A_47 : memref<128x128xf32, #tpu.memory_space<vmem_shared>>) target_semaphore(%run_scoped3A : memref<!tpu.dma_semaphore, #tpu.memory_space<semaphore_mem>>)
      %dma_wait3A = arith.constant 0 : i32
      %dma_wait3A_48 = tpu.memref_slice %arg7[%add3A_26, %dma_wait3A] : memref<10240x128xf32, #tpu.memory_space<vmem_shared>> -> memref<128x128xf32, #tpu.memory_space<vmem_shared>>
      %dma_wait3A_49 = arith.constant 0 : i32
      %dma_wait3A_50 = tpu.memref_slice %arg7[%add3A_26, %dma_wait3A_49] : memref<10240x128xf32, #tpu.memory_space<vmem_shared>> -> memref<128x128xf32, #tpu.memory_space<vmem_shared>>
      tpu.wait_dma2 semaphore(%run_scoped3A : memref<!tpu.dma_semaphore, #tpu.memory_space<semaphore_mem>>) src(%arg6 : memref<128x128xf32, #tpu.memory_space<vmem>>) dst(%dma_wait3A_50 : memref<128x128xf32, #tpu.memory_space<vmem_shared>>)
      tpu.yield
    }) : () -> ()
    %barrier3A = arith.constant 0 : index
    tpu.barrier barrier_id(%barrier3A)
    %eq3A = arith.constant 0 : i32
    %eq3A_27 = arith.cmpi eq, %arg0, %eq3A : i32
    %jit3A = arith.constant 103 : i32
    %jit3A_28 = arith.constant 54 : i32
    %select_n3A = arith.select %eq3A_27, %jit3A, %jit3A_28 : i32
    %while3A = arith.constant 0 : i32
    %while3A_29 = arith.constant 0 : i32
    %while3A_30 = arith.subi %select_n3A, %while3A : i32
    %while3A_31 = arith.addi %while3A, %while3A_30 : i32
    %while3A_32 = arith.constant 1 : i32
    %while3A_33 = arith.divsi %while3A_30, %while3A_32 : i32
    %while3A_34 = arith.muli %while3A_33, %while3A_32 : i32
    %while3A_35 = arith.addi %while3A, %while3A_34 : i32
    %while3A_36 = arith.constant 1 : i32
    %while3A_37 = scf.for %while3A_45 = %while3A to %while3A_35 step %while3A_36 iter_args(%while3A_46 = %while3A_29) -> (i32)  : i32 {
      "tpu.region"() ({
        %run_scoped3A_60 = tpu.sem_alloc : memref<!tpu.dma_semaphore, #tpu.memory_space<semaphore_mem>>
        %dma_start3A_61 = arith.constant 0 : i32
        %dma_start3A_62 = arith.constant 0 : i32
        %dma_start3A_63 = tpu.memref_slice %arg3[%add3A, %while3A_45, %dma_start3A_61, %dma_start3A_62] : memref<32x103x2x128xi32, #tpu.memory_space<hbm>> -> memref<1x1x2x128xi32, #tpu.memory_space<hbm>>
        %dma_start3A_64 = tpu.memref_squeeze %dma_start3A_63 : memref<1x1x2x128xi32, #tpu.memory_space<hbm>> -> memref<2x128xi32, #tpu.memory_space<hbm>>
        %dma_start3A_65 = arith.constant 0 : i32
        %dma_start3A_66 = arith.constant 0 : i32
        %dma_start3A_67 = tpu.memref_slice %arg3[%add3A, %while3A_45, %dma_start3A_65, %dma_start3A_66] : memref<32x103x2x128xi32, #tpu.memory_space<hbm>> -> memref<1x1x2x128xi32, #tpu.memory_space<hbm>>
        %dma_start3A_68 = tpu.memref_squeeze %dma_start3A_67 : memref<1x1x2x128xi32, #tpu.memory_space<hbm>> -> memref<2x128xi32, #tpu.memory_space<hbm>>
        tpu.enqueue_dma source(%dma_start3A_68 : memref<2x128xi32, #tpu.memory_space<hbm>>) target(%arg5 : memref<2x128xi32, #tpu.memory_space<vmem>>) target_semaphore(%run_scoped3A_60 : memref<!tpu.dma_semaphore, #tpu.memory_space<semaphore_mem>>)
        %dma_wait3A_69 = arith.constant 0 : i32
        %dma_wait3A_70 = arith.constant 0 : i32
        %dma_wait3A_71 = tpu.memref_slice %arg3[%add3A, %while3A_45, %dma_wait3A_69, %dma_wait3A_70] : memref<32x103x2x128xi32, #tpu.memory_space<hbm>> -> memref<1x1x2x128xi32, #tpu.memory_space<hbm>>
        %dma_wait3A_72 = tpu.memref_squeeze %dma_wait3A_71 : memref<1x1x2x128xi32, #tpu.memory_space<hbm>> -> memref<2x128xi32, #tpu.memory_space<hbm>>
        %dma_wait3A_73 = arith.constant 0 : i32
        %dma_wait3A_74 = arith.constant 0 : i32
        %dma_wait3A_75 = tpu.memref_slice %arg3[%add3A, %while3A_45, %dma_wait3A_73, %dma_wait3A_74] : memref<32x103x2x128xi32, #tpu.memory_space<hbm>> -> memref<1x1x2x128xi32, #tpu.memory_space<hbm>>
        %dma_wait3A_76 = tpu.memref_squeeze %dma_wait3A_75 : memref<1x1x2x128xi32, #tpu.memory_space<hbm>> -> memref<2x128xi32, #tpu.memory_space<hbm>>
        tpu.wait_dma2 semaphore(%run_scoped3A_60 : memref<!tpu.dma_semaphore, #tpu.memory_space<semaphore_mem>>) src(%dma_wait3A_76 : memref<2x128xi32, #tpu.memory_space<hbm>>) dst(%arg5 : memref<2x128xi32, #tpu.memory_space<vmem>>)
        tpu.yield
      }) : () -> ()
      %dma_start3A = arith.constant 0 : i32
      %dma_start3A_47 = arith.constant 0 : i32
      %dma_start3A_48 = tpu.memref_slice %arg5[%dma_start3A, %dma_start3A_47] : memref<2x128xi32, #tpu.memory_space<vmem>> -> memref<1x128xi32, #tpu.memory_space<vmem>>
      %dma_start3A_49 = tpu.memref_squeeze %dma_start3A_48 : memref<1x128xi32, #tpu.memory_space<vmem>> -> memref<128xi32, #tpu.memory_space<vmem>>
      %dma_start3A_50 = arith.constant 0 : i32
      %dma_start3A_51 = arith.constant 0 : i32
      %dma_start3A_52 = tpu.memref_slice %arg2[%dma_start3A_50, %dma_start3A_51] : memref<10240x128xf32, #tpu.memory_space<hbm>> -> memref<10240x128xf32, #tpu.memory_space<hbm>>
      tpu.enqueue_indirect_dma source(%dma_start3A_52 : memref<10240x128xf32, #tpu.memory_space<hbm>>) target(%arg6 : memref<128x128xf32, #tpu.memory_space<vmem>>) offsets(%dma_start3A_49 : memref<128xi32, #tpu.memory_space<vmem>>) semaphore(%arg8 : memref<!tpu.dma_semaphore, #tpu.memory_space<semaphore_mem>>)
      %dma_wait3A = arith.constant 0 : i32
      %dma_wait3A_53 = arith.constant 0 : i32
      %dma_wait3A_54 = tpu.memref_slice %arg5[%dma_wait3A, %dma_wait3A_53] : memref<2x128xi32, #tpu.memory_space<vmem>> -> memref<1x128xi32, #tpu.memory_space<vmem>>
      %dma_wait3A_55 = tpu.memref_squeeze %dma_wait3A_54 : memref<1x128xi32, #tpu.memory_space<vmem>> -> memref<128xi32, #tpu.memory_space<vmem>>
      %dma_wait3A_56 = arith.constant 0 : i32
      %dma_wait3A_57 = arith.constant 0 : i32
      %dma_wait3A_58 = tpu.memref_slice %arg2[%dma_wait3A_56, %dma_wait3A_57] : memref<10240x128xf32, #tpu.memory_space<hbm>> -> memref<10240x128xf32, #tpu.memory_space<hbm>>
      tpu.wait_indirect_dma semaphore(%arg8 : memref<!tpu.dma_semaphore, #tpu.memory_space<semaphore_mem>>) src(%dma_wait3A_58 : memref<10240x128xf32, #tpu.memory_space<hbm>>) dst(%arg6 : memref<128x128xf32, #tpu.memory_space<vmem>>)
      %run_scoped3A = arith.constant 1 : i32
      "tpu.region"() ({
        %run_scoped3A_60 = tpu.sem_alloc : memref<!tpu.dma_semaphore, #tpu.memory_space<semaphore_mem>>
        %dma_start3A_61 = arith.constant 0 : i32
        %dma_start3A_62 = tpu.memref_slice %arg5[%run_scoped3A, %dma_start3A_61] : memref<2x128xi32, #tpu.memory_space<vmem>> -> memref<1x128xi32, #tpu.memory_space<vmem>>
        %dma_start3A_63 = tpu.memref_squeeze %dma_start3A_62 : memref<1x128xi32, #tpu.memory_space<vmem>> -> memref<128xi32, #tpu.memory_space<vmem>>
        %dma_start3A_64 = arith.constant 0 : i32
        %dma_start3A_65 = arith.constant 0 : i32
        %dma_start3A_66 = tpu.memref_slice %arg7[%dma_start3A_64, %dma_start3A_65] : memref<10240x128xf32, #tpu.memory_space<vmem_shared>> -> memref<10240x128xf32, #tpu.memory_space<vmem_shared>>
        tpu.enqueue_indirect_dma source(%arg6 : memref<128x128xf32, #tpu.memory_space<vmem>>) target(%dma_start3A_66 : memref<10240x128xf32, #tpu.memory_space<vmem_shared>>) offsets(%dma_start3A_63 : memref<128xi32, #tpu.memory_space<vmem>>) semaphore(%run_scoped3A_60 : memref<!tpu.dma_semaphore, #tpu.memory_space<semaphore_mem>>) {add = true}
        %dma_wait3A_67 = arith.constant 0 : i32
        %dma_wait3A_68 = tpu.memref_slice %arg5[%run_scoped3A, %dma_wait3A_67] : memref<2x128xi32, #tpu.memory_space<vmem>> -> memref<1x128xi32, #tpu.memory_space<vmem>>
        %dma_wait3A_69 = tpu.memref_squeeze %dma_wait3A_68 : memref<1x128xi32, #tpu.memory_space<vmem>> -> memref<128xi32, #tpu.memory_space<vmem>>
        %dma_wait3A_70 = arith.constant 0 : i32
        %dma_wait3A_71 = arith.constant 0 : i32
        %dma_wait3A_72 = tpu.memref_slice %arg7[%dma_wait3A_70, %dma_wait3A_71] : memref<10240x128xf32, #tpu.memory_space<vmem_shared>> -> memref<10240x128xf32, #tpu.memory_space<vmem_shared>>
        tpu.wait_indirect_dma semaphore(%run_scoped3A_60 : memref<!tpu.dma_semaphore, #tpu.memory_space<semaphore_mem>>) src(%arg6 : memref<128x128xf32, #tpu.memory_space<vmem>>) dst(%dma_wait3A_72 : memref<10240x128xf32, #tpu.memory_space<vmem_shared>>)
        tpu.yield
      }) : () -> ()
      %while3A_59 = arith.constant 0 : i32
      scf.yield %while3A_59 : i32
    }
    %while3A_38 = arith.constant 1 : i32
    %while3A_39 = scf.for %while3A_45 = %while3A_35 to %while3A_31 step %while3A_38 iter_args(%while3A_46 = %while3A_37) -> (i32)  : i32 {
      "tpu.region"() ({
        %run_scoped3A_60 = tpu.sem_alloc : memref<!tpu.dma_semaphore, #tpu.memory_space<semaphore_mem>>
        %dma_start3A_61 = arith.constant 0 : i32
        %dma_start3A_62 = arith.constant 0 : i32
        %dma_start3A_63 = tpu.memref_slice %arg3[%add3A, %while3A_45, %dma_start3A_61, %dma_start3A_62] : memref<32x103x2x128xi32, #tpu.memory_space<hbm>> -> memref<1x1x2x128xi32, #tpu.memory_space<hbm>>
        %dma_start3A_64 = tpu.memref_squeeze %dma_start3A_63 : memref<1x1x2x128xi32, #tpu.memory_space<hbm>> -> memref<2x128xi32, #tpu.memory_space<hbm>>
        %dma_start3A_65 = arith.constant 0 : i32
        %dma_start3A_66 = arith.constant 0 : i32
        %dma_start3A_67 = tpu.memref_slice %arg3[%add3A, %while3A_45, %dma_start3A_65, %dma_start3A_66] : memref<32x103x2x128xi32, #tpu.memory_space<hbm>> -> memref<1x1x2x128xi32, #tpu.memory_space<hbm>>
        %dma_start3A_68 = tpu.memref_squeeze %dma_start3A_67 : memref<1x1x2x128xi32, #tpu.memory_space<hbm>> -> memref<2x128xi32, #tpu.memory_space<hbm>>
        tpu.enqueue_dma source(%dma_start3A_68 : memref<2x128xi32, #tpu.memory_space<hbm>>) target(%arg5 : memref<2x128xi32, #tpu.memory_space<vmem>>) target_semaphore(%run_scoped3A_60 : memref<!tpu.dma_semaphore, #tpu.memory_space<semaphore_mem>>)
        %dma_wait3A_69 = arith.constant 0 : i32
        %dma_wait3A_70 = arith.constant 0 : i32
        %dma_wait3A_71 = tpu.memref_slice %arg3[%add3A, %while3A_45, %dma_wait3A_69, %dma_wait3A_70] : memref<32x103x2x128xi32, #tpu.memory_space<hbm>> -> memref<1x1x2x128xi32, #tpu.memory_space<hbm>>
        %dma_wait3A_72 = tpu.memref_squeeze %dma_wait3A_71 : memref<1x1x2x128xi32, #tpu.memory_space<hbm>> -> memref<2x128xi32, #tpu.memory_space<hbm>>
        %dma_wait3A_73 = arith.constant 0 : i32
        %dma_wait3A_74 = arith.constant 0 : i32
        %dma_wait3A_75 = tpu.memref_slice %arg3[%add3A, %while3A_45, %dma_wait3A_73, %dma_wait3A_74] : memref<32x103x2x128xi32, #tpu.memory_space<hbm>> -> memref<1x1x2x128xi32, #tpu.memory_space<hbm>>
        %dma_wait3A_76 = tpu.memref_squeeze %dma_wait3A_75 : memref<1x1x2x128xi32, #tpu.memory_space<hbm>> -> memref<2x128xi32, #tpu.memory_space<hbm>>
        tpu.wait_dma2 semaphore(%run_scoped3A_60 : memref<!tpu.dma_semaphore, #tpu.memory_space<semaphore_mem>>) src(%dma_wait3A_76 : memref<2x128xi32, #tpu.memory_space<hbm>>) dst(%arg5 : memref<2x128xi32, #tpu.memory_space<vmem>>)
        tpu.yield
      }) : () -> ()
      %dma_start3A = arith.constant 0 : i32
      %dma_start3A_47 = arith.constant 0 : i32
      %dma_start3A_48 = tpu.memref_slice %arg5[%dma_start3A, %dma_start3A_47] : memref<2x128xi32, #tpu.memory_space<vmem>> -> memref<1x128xi32, #tpu.memory_space<vmem>>
      %dma_start3A_49 = tpu.memref_squeeze %dma_start3A_48 : memref<1x128xi32, #tpu.memory_space<vmem>> -> memref<128xi32, #tpu.memory_space<vmem>>
      %dma_start3A_50 = arith.constant 0 : i32
      %dma_start3A_51 = arith.constant 0 : i32
      %dma_start3A_52 = tpu.memref_slice %arg2[%dma_start3A_50, %dma_start3A_51] : memref<10240x128xf32, #tpu.memory_space<hbm>> -> memref<10240x128xf32, #tpu.memory_space<hbm>>
      tpu.enqueue_indirect_dma source(%dma_start3A_52 : memref<10240x128xf32, #tpu.memory_space<hbm>>) target(%arg6 : memref<128x128xf32, #tpu.memory_space<vmem>>) offsets(%dma_start3A_49 : memref<128xi32, #tpu.memory_space<vmem>>) semaphore(%arg8 : memref<!tpu.dma_semaphore, #tpu.memory_space<semaphore_mem>>)
      %dma_wait3A = arith.constant 0 : i32
      %dma_wait3A_53 = arith.constant 0 : i32
      %dma_wait3A_54 = tpu.memref_slice %arg5[%dma_wait3A, %dma_wait3A_53] : memref<2x128xi32, #tpu.memory_space<vmem>> -> memref<1x128xi32, #tpu.memory_space<vmem>>
      %dma_wait3A_55 = tpu.memref_squeeze %dma_wait3A_54 : memref<1x128xi32, #tpu.memory_space<vmem>> -> memref<128xi32, #tpu.memory_space<vmem>>
      %dma_wait3A_56 = arith.constant 0 : i32
      %dma_wait3A_57 = arith.constant 0 : i32
      %dma_wait3A_58 = tpu.memref_slice %arg2[%dma_wait3A_56, %dma_wait3A_57] : memref<10240x128xf32, #tpu.memory_space<hbm>> -> memref<10240x128xf32, #tpu.memory_space<hbm>>
      tpu.wait_indirect_dma semaphore(%arg8 : memref<!tpu.dma_semaphore, #tpu.memory_space<semaphore_mem>>) src(%dma_wait3A_58 : memref<10240x128xf32, #tpu.memory_space<hbm>>) dst(%arg6 : memref<128x128xf32, #tpu.memory_space<vmem>>)
      %run_scoped3A = arith.constant 1 : i32
      "tpu.region"() ({
        %run_scoped3A_60 = tpu.sem_alloc : memref<!tpu.dma_semaphore, #tpu.memory_space<semaphore_mem>>
        %dma_start3A_61 = arith.constant 0 : i32
        %dma_start3A_62 = tpu.memref_slice %arg5[%run_scoped3A, %dma_start3A_61] : memref<2x128xi32, #tpu.memory_space<vmem>> -> memref<1x128xi32, #tpu.memory_space<vmem>>
        %dma_start3A_63 = tpu.memref_squeeze %dma_start3A_62 : memref<1x128xi32, #tpu.memory_space<vmem>> -> memref<128xi32, #tpu.memory_space<vmem>>
        %dma_start3A_64 = arith.constant 0 : i32
        %dma_start3A_65 = arith.constant 0 : i32
        %dma_start3A_66 = tpu.memref_slice %arg7[%dma_start3A_64, %dma_start3A_65] : memref<10240x128xf32, #tpu.memory_space<vmem_shared>> -> memref<10240x128xf32, #tpu.memory_space<vmem_shared>>
        tpu.enqueue_indirect_dma source(%arg6 : memref<128x128xf32, #tpu.memory_space<vmem>>) target(%dma_start3A_66 : memref<10240x128xf32, #tpu.memory_space<vmem_shared>>) offsets(%dma_start3A_63 : memref<128xi32, #tpu.memory_space<vmem>>) semaphore(%run_scoped3A_60 : memref<!tpu.dma_semaphore, #tpu.memory_space<semaphore_mem>>) {add = true}
        %dma_wait3A_67 = arith.constant 0 : i32
        %dma_wait3A_68 = tpu.memref_slice %arg5[%run_scoped3A, %dma_wait3A_67] : memref<2x128xi32, #tpu.memory_space<vmem>> -> memref<1x128xi32, #tpu.memory_space<vmem>>
        %dma_wait3A_69 = tpu.memref_squeeze %dma_wait3A_68 : memref<1x128xi32, #tpu.memory_space<vmem>> -> memref<128xi32, #tpu.memory_space<vmem>>
        %dma_wait3A_70 = arith.constant 0 : i32
        %dma_wait3A_71 = arith.constant 0 : i32
        %dma_wait3A_72 = tpu.memref_slice %arg7[%dma_wait3A_70, %dma_wait3A_71] : memref<10240x128xf32, #tpu.memory_space<vmem_shared>> -> memref<10240x128xf32, #tpu.memory_space<vmem_shared>>
        tpu.wait_indirect_dma semaphore(%run_scoped3A_60 : memref<!tpu.dma_semaphore, #tpu.memory_space<semaphore_mem>>) src(%arg6 : memref<128x128xf32, #tpu.memory_space<vmem>>) dst(%dma_wait3A_72 : memref<10240x128xf32, #tpu.memory_space<vmem_shared>>)
        tpu.yield
      }) : () -> ()
      %while3A_59 = arith.constant 0 : i32
      scf.yield %while3A_59 : i32
    }
    %barrier3A_40 = arith.constant 0 : index
    tpu.barrier barrier_id(%barrier3A_40)
    %mul3A_41 = arith.constant 640 : i32
    %mul3A_42 = arith.muli %arg1, %mul3A_41 : i32
    %mul3A_43 = arith.constant 640 : i32
    %mul3A_44 = arith.muli %arg1, %mul3A_43 : i32
    "tpu.region"() ({
      %run_scoped3A = tpu.sem_alloc : memref<!tpu.dma_semaphore, #tpu.memory_space<semaphore_mem>>
      %dma_start3A = arith.constant 0 : i32
      %dma_start3A_45 = tpu.memref_slice %arg4[%arg0, %mul3A_44, %dma_start3A] : memref<2x10240x128xf32, #tpu.memory_space<hbm>> -> memref<1x640x128xf32, #tpu.memory_space<hbm>>
      %dma_start3A_46 = tpu.memref_squeeze %dma_start3A_45 : memref<1x640x128xf32, #tpu.memory_space<hbm>> -> memref<640x128xf32, #tpu.memory_space<hbm>>
      %dma_start3A_47 = arith.constant 0 : i32
      %dma_start3A_48 = tpu.memref_slice %arg7[%mul3A_42, %dma_start3A_47] : memref<10240x128xf32, #tpu.memory_space<vmem_shared>> -> memref<640x128xf32, #tpu.memory_space<vmem_shared>>
      tpu.enqueue_dma source(%dma_start3A_48 : memref<640x128xf32, #tpu.memory_space<vmem_shared>>) target(%dma_start3A_46 : memref<640x128xf32, #tpu.memory_space<hbm>>) target_semaphore(%run_scoped3A : memref<!tpu.dma_semaphore, #tpu.memory_space<semaphore_mem>>)
      %dma_wait3A = arith.constant 0 : i32
      %dma_wait3A_49 = tpu.memref_slice %arg4[%arg0, %mul3A_44, %dma_wait3A] : memref<2x10240x128xf32, #tpu.memory_space<hbm>> -> memref<1x640x128xf32, #tpu.memory_space<hbm>>
      %dma_wait3A_50 = tpu.memref_squeeze %dma_wait3A_49 : memref<1x640x128xf32, #tpu.memory_space<hbm>> -> memref<640x128xf32, #tpu.memory_space<hbm>>
      %dma_wait3A_51 = arith.constant 0 : i32
      %dma_wait3A_52 = tpu.memref_slice %arg7[%mul3A_42, %dma_wait3A_51] : memref<10240x128xf32, #tpu.memory_space<vmem_shared>> -> memref<640x128xf32, #tpu.memory_space<vmem_shared>>
      tpu.wait_dma2 semaphore(%run_scoped3A : memref<!tpu.dma_semaphore, #tpu.memory_space<semaphore_mem>>) src(%dma_wait3A_52 : memref<640x128xf32, #tpu.memory_space<vmem_shared>>) dst(%dma_wait3A_50 : memref<640x128xf32, #tpu.memory_space<hbm>>)
      tpu.yield
    }) : () -> ()
    return
  }
}

#map = affine_map<(d0, d1) -> (0, 0, 0)>
#map1 = affine_map<(d0, d1) -> (0, 0)>
module attributes {stable_mosaic.version = 14 : i64} {
  func.func @_deg_body(%arg0: i32, %arg1: i32, %arg2: memref<32x103x128xi32, #tpu.memory_space<hbm>>, %arg3: memref<32x10240xf32, #tpu.memory_space<hbm>>, %arg4: memref<103x128xi32, #tpu.memory_space<vmem>>, %arg5: memref<10240xf32, #tpu.memory_space<vmem>>, %arg6: memref<!tpu.dma_semaphore, #tpu.memory_space<semaphore_mem>>) attributes {dimension_semantics = [#tpu.dimension_semantics<core_parallel>, #tpu.dimension_semantics<subcore_parallel>], iteration_bounds = array<i64: 2, 16>, scalar_prefetch = 0 : i64, scratch_operands = 3 : i64, tpu.core_type = #tpu.core_type<sc_vector_subcore>, window_params = [{transform_indices = #map}, {transform_indices = #map1}]} {
    %mul3A = arith.constant 16 : i32
    %mul3A_0 = arith.muli %arg0, %mul3A : i32
    %add3A = arith.addi %mul3A_0, %arg1 : i32
    %broadcast_in_dim3A = arith.constant 1.000000e+00 : f32
    %broadcast_in_dim3A_1 = vector.broadcast %broadcast_in_dim3A : f32 to vector<16xf32>
    %scan3A = arith.constant 0 : i32
    %scan3A_2 = arith.constant 0 : i32
    %scan3A_3 = arith.constant 640 : i32
    %scan3A_4 = arith.addi %scan3A_2, %scan3A_3 : i32
    %scan3A_5 = arith.constant 1 : i32
    %scan3A_6 = scf.for %scan3A_15 = %scan3A_2 to %scan3A_4 step %scan3A_5 iter_args(%scan3A_16 = %scan3A) -> (i32)  : i32 {
      %broadcast_in_dim3A_17 = arith.constant 0.000000e+00 : f32
      %broadcast_in_dim3A_18 = vector.broadcast %broadcast_in_dim3A_17 : f32 to vector<16xf32>
      %mul3A_19 = arith.constant 16 : i32
      %mul3A_20 = arith.muli %scan3A_15, %mul3A_19 : i32
      %swap3A = arith.index_cast %mul3A_20 : i32 to index
      %swap3A_21 = tpu.vector_load %arg5[%swap3A] {strides = array<i32>} : memref<10240xf32, #tpu.memory_space<vmem>>, vector<16xf32>,
      tpu.vector_store %arg5[%swap3A], %broadcast_in_dim3A_18 {strides = array<i32>} : memref<10240xf32, #tpu.memory_space<vmem>>, vector<16xf32>,
      %scan3A_22 = arith.constant 0 : i32
      scf.yield %scan3A_22 : i32
    }
    %scan3A_7 = arith.constant 640 : i32
    "tpu.region"() ({
      %run_scoped3A = tpu.sem_alloc : memref<!tpu.dma_semaphore, #tpu.memory_space<semaphore_mem>>
      %dma_start3A = arith.constant 0 : i32
      %dma_start3A_15 = arith.constant 0 : i32
      %dma_start3A_16 = tpu.memref_slice %arg2[%add3A, %dma_start3A, %dma_start3A_15] : memref<32x103x128xi32, #tpu.memory_space<hbm>> -> memref<1x103x128xi32, #tpu.memory_space<hbm>>
      %dma_start3A_17 = tpu.memref_squeeze %dma_start3A_16 : memref<1x103x128xi32, #tpu.memory_space<hbm>> -> memref<103x128xi32, #tpu.memory_space<hbm>>
      %dma_start3A_18 = arith.constant 0 : i32
      %dma_start3A_19 = arith.constant 0 : i32
      %dma_start3A_20 = tpu.memref_slice %arg2[%add3A, %dma_start3A_18, %dma_start3A_19] : memref<32x103x128xi32, #tpu.memory_space<hbm>> -> memref<1x103x128xi32, #tpu.memory_space<hbm>>
      %dma_start3A_21 = tpu.memref_squeeze %dma_start3A_20 : memref<1x103x128xi32, #tpu.memory_space<hbm>> -> memref<103x128xi32, #tpu.memory_space<hbm>>
      tpu.enqueue_dma source(%dma_start3A_21 : memref<103x128xi32, #tpu.memory_space<hbm>>) target(%arg4 : memref<103x128xi32, #tpu.memory_space<vmem>>) target_semaphore(%run_scoped3A : memref<!tpu.dma_semaphore, #tpu.memory_space<semaphore_mem>>)
      %dma_wait3A = arith.constant 0 : i32
      %dma_wait3A_22 = arith.constant 0 : i32
      %dma_wait3A_23 = tpu.memref_slice %arg2[%add3A, %dma_wait3A, %dma_wait3A_22] : memref<32x103x128xi32, #tpu.memory_space<hbm>> -> memref<1x103x128xi32, #tpu.memory_space<hbm>>
      %dma_wait3A_24 = tpu.memref_squeeze %dma_wait3A_23 : memref<1x103x128xi32, #tpu.memory_space<hbm>> -> memref<103x128xi32, #tpu.memory_space<hbm>>
      %dma_wait3A_25 = arith.constant 0 : i32
      %dma_wait3A_26 = arith.constant 0 : i32
      %dma_wait3A_27 = tpu.memref_slice %arg2[%add3A, %dma_wait3A_25, %dma_wait3A_26] : memref<32x103x128xi32, #tpu.memory_space<hbm>> -> memref<1x103x128xi32, #tpu.memory_space<hbm>>
      %dma_wait3A_28 = tpu.memref_squeeze %dma_wait3A_27 : memref<1x103x128xi32, #tpu.memory_space<hbm>> -> memref<103x128xi32, #tpu.memory_space<hbm>>
      tpu.wait_dma2 semaphore(%run_scoped3A : memref<!tpu.dma_semaphore, #tpu.memory_space<semaphore_mem>>) src(%dma_wait3A_28 : memref<103x128xi32, #tpu.memory_space<hbm>>) dst(%arg4 : memref<103x128xi32, #tpu.memory_space<vmem>>)
      tpu.yield
    }) : () -> ()
    %scan3A_8 = arith.constant 0 : i32
    %scan3A_9 = arith.constant 0 : i32
    %scan3A_10 = arith.constant 824 : i32
    %scan3A_11 = arith.addi %scan3A_9, %scan3A_10 : i32
    %scan3A_12 = arith.constant 1 : i32
    %scan3A_13 = scf.for %scan3A_15 = %scan3A_9 to %scan3A_11 step %scan3A_12 iter_args(%scan3A_16 = %scan3A_8) -> (i32)  : i32 {
      %jit3A = arith.constant 8 : i32
      %div3A = arith.divsi %scan3A_15, %jit3A : i32
      %sign3A = arith.constant 0 : i32
      %sign3A_17 = arith.cmpi sgt, %scan3A_15, %sign3A : i32
      %sign3A_18 = arith.extui %sign3A_17 : i1 to i32
      %sign3A_19 = arith.constant 0 : i32
      %sign3A_20 = arith.cmpi slt, %scan3A_15, %sign3A_19 : i32
      %sign3A_21 = arith.extui %sign3A_20 : i1 to i32
      %sign3A_22 = arith.subi %sign3A_18, %sign3A_21 : i32
      %sign3A_23 = arith.constant 0 : i32
      %sign3A_24 = arith.cmpi sgt, %jit3A, %sign3A_23 : i32
      %sign3A_25 = arith.extui %sign3A_24 : i1 to i32
      %sign3A_26 = arith.constant 0 : i32
      %sign3A_27 = arith.cmpi slt, %jit3A, %sign3A_26 : i32
      %sign3A_28 = arith.extui %sign3A_27 : i1 to i32
      %sign3A_29 = arith.subi %sign3A_25, %sign3A_28 : i32
      %ne3A = arith.cmpi ne, %sign3A_22, %sign3A_29 : i32
      %rem3A = arith.remsi %scan3A_15, %jit3A : i32
      %ne3A_30 = arith.constant 0 : i32
      %ne3A_31 = arith.cmpi ne, %rem3A, %ne3A_30 : i32
      %and3A = arith.andi %ne3A, %ne3A_31 : i1
      %sub3A = arith.constant 1 : i32
      %sub3A_32 = arith.subi %div3A, %sub3A : i32
      %select_n3A = arith.select %and3A, %sub3A_32, %div3A : i32
      %jit3A_33 = arith.constant 8 : i32
      %eq3A = arith.constant 0 : i32
      %eq3A_34 = arith.cmpi eq, %jit3A_33, %eq3A : i32
      %jit3A_35 = arith.constant 1 : i32
      %select_n3A_36 = arith.select %eq3A_34, %jit3A_35, %jit3A_33 : i32
      %rem3A_37 = arith.remsi %scan3A_15, %select_n3A_36 : i32
      %ne3A_38 = arith.constant 0 : i32
      %ne3A_39 = arith.cmpi ne, %rem3A_37, %ne3A_38 : i32
      %lt3A = arith.constant 0 : i32
      %lt3A_40 = arith.cmpi slt, %rem3A_37, %lt3A : i32
      %lt3A_41 = arith.constant 0 : i32
      %lt3A_42 = arith.cmpi slt, %select_n3A_36, %lt3A_41 : i32
      %ne3A_43 = arith.xori %lt3A_40, %lt3A_42 : i1
      %and3A_44 = arith.andi %ne3A_43, %ne3A_39 : i1
      %add3A_45 = arith.addi %rem3A_37, %select_n3A_36 : i32
      %select_n3A_46 = arith.select %and3A_44, %add3A_45, %rem3A_37 : i32
      %mul3A_47 = arith.constant 16 : i32
      %mul3A_48 = arith.muli %select_n3A_46, %mul3A_47 : i32
      %get3A = arith.index_cast %select_n3A : i32 to index
      %get3A_49 = arith.index_cast %mul3A_48 : i32 to index
      %get3A_50 = tpu.vector_load %arg4[%get3A, %get3A_49] {strides = array<i32>} : memref<103x128xi32, #tpu.memory_space<vmem>>, vector<16xi32>,
      tpu.vector_store_idx %arg5[%get3A_50], %broadcast_in_dim3A_1 {add = true} : memref<10240xf32, #tpu.memory_space<vmem>>[vector<16xi32>], vector<16xf32>,
      %scan3A_51 = arith.constant 0 : i32
      scf.yield %scan3A_51 : i32
    }
    %scan3A_14 = arith.constant 824 : i32
    "tpu.region"() ({
      %run_scoped3A = tpu.sem_alloc : memref<!tpu.dma_semaphore, #tpu.memory_space<semaphore_mem>>
      %dma_start3A = arith.constant 0 : i32
      %dma_start3A_15 = tpu.memref_slice %arg3[%add3A, %dma_start3A] : memref<32x10240xf32, #tpu.memory_space<hbm>> -> memref<1x10240xf32, #tpu.memory_space<hbm>>
      %dma_start3A_16 = tpu.memref_squeeze %dma_start3A_15 : memref<1x10240xf32, #tpu.memory_space<hbm>> -> memref<10240xf32, #tpu.memory_space<hbm>>
      %dma_start3A_17 = arith.constant 0 : i32
      %dma_start3A_18 = tpu.memref_slice %arg3[%add3A, %dma_start3A_17] : memref<32x10240xf32, #tpu.memory_space<hbm>> -> memref<1x10240xf32, #tpu.memory_space<hbm>>
      %dma_start3A_19 = tpu.memref_squeeze %dma_start3A_18 : memref<1x10240xf32, #tpu.memory_space<hbm>> -> memref<10240xf32, #tpu.memory_space<hbm>>
      tpu.enqueue_dma source(%arg5 : memref<10240xf32, #tpu.memory_space<vmem>>) target(%dma_start3A_19 : memref<10240xf32, #tpu.memory_space<hbm>>) target_semaphore(%run_scoped3A : memref<!tpu.dma_semaphore, #tpu.memory_space<semaphore_mem>>)
      %dma_wait3A = arith.constant 0 : i32
      %dma_wait3A_20 = tpu.memref_slice %arg3[%add3A, %dma_wait3A] : memref<32x10240xf32, #tpu.memory_space<hbm>> -> memref<1x10240xf32, #tpu.memory_space<hbm>>
      %dma_wait3A_21 = tpu.memref_squeeze %dma_wait3A_20 : memref<1x10240xf32, #tpu.memory_space<hbm>> -> memref<10240xf32, #tpu.memory_space<hbm>>
      %dma_wait3A_22 = arith.constant 0 : i32
      %dma_wait3A_23 = tpu.memref_slice %arg3[%add3A, %dma_wait3A_22] : memref<32x10240xf32, #tpu.memory_space<hbm>> -> memref<1x10240xf32, #tpu.memory_space<hbm>>
      %dma_wait3A_24 = tpu.memref_squeeze %dma_wait3A_23 : memref<1x10240xf32, #tpu.memory_space<hbm>> -> memref<10240xf32, #tpu.memory_space<hbm>>
      tpu.wait_dma2 semaphore(%run_scoped3A : memref<!tpu.dma_semaphore, #tpu.memory_space<semaphore_mem>>) src(%arg5 : memref<10240xf32, #tpu.memory_space<vmem>>) dst(%dma_wait3A_24 : memref<10240xf32, #tpu.memory_space<hbm>>)
      tpu.yield
    }) : () -> ()
    return
  }
}

#map = affine_map<(d0, d1) -> (0, 0)>
#map1 = affine_map<(d0, d1) -> (0, 0, 0, 0)>
#map2 = affine_map<(d0, d1) -> (0, 0, 0)>
module attributes {stable_mosaic.version = 14 : i64} {
  func.func @_agg_body(%arg0: i32, %arg1: i32, %arg2: memref<10240x128xf32, #tpu.memory_space<hbm>>, %arg3: memref<32x103x2x128xi32, #tpu.memory_space<hbm>>, %arg4: memref<2x10240x128xf32, #tpu.memory_space<hbm>>, %arg5: memref<2x128xi32, #tpu.memory_space<vmem>>, %arg6: memref<128x128xf32, #tpu.memory_space<vmem>>, %arg7: memref<10240x128xf32, #tpu.memory_space<vmem_shared>>, %arg8: memref<!tpu.dma_semaphore, #tpu.memory_space<semaphore_mem>>) attributes {dimension_semantics = [#tpu.dimension_semantics<core_parallel>, #tpu.dimension_semantics<subcore_parallel>], iteration_bounds = array<i64: 2, 16>, scalar_prefetch = 0 : i64, scratch_operands = 4 : i64, tpu.core_type = #tpu.core_type<sc_vector_subcore>, window_params = [{transform_indices = #map}, {transform_indices = #map1}, {transform_indices = #map2}]} {
    %mul3A = arith.constant 16 : i32
    %mul3A_0 = arith.muli %arg0, %mul3A : i32
    %add3A = arith.addi %mul3A_0, %arg1 : i32
    %scan3A = arith.constant 0 : i32
    %scan3A_1 = arith.constant 0 : i32
    %scan3A_2 = arith.constant 128 : i32
    %scan3A_3 = arith.addi %scan3A_1, %scan3A_2 : i32
    %scan3A_4 = arith.constant 1 : i32
    %scan3A_5 = scf.for %scan3A_45 = %scan3A_1 to %scan3A_3 step %scan3A_4 iter_args(%scan3A_46 = %scan3A) -> (i32)  : i32 {
      %scan3A_47 = arith.constant 0 : i32
      %scan3A_48 = arith.constant 0 : i32
      %scan3A_49 = arith.constant 8 : i32
      %scan3A_50 = arith.addi %scan3A_48, %scan3A_49 : i32
      %scan3A_51 = arith.constant 1 : i32
      %scan3A_52 = scf.for %scan3A_55 = %scan3A_48 to %scan3A_50 step %scan3A_51 iter_args(%scan3A_56 = %scan3A_47) -> (i32)  : i32 {
        %broadcast_in_dim3A = arith.constant 0.000000e+00 : f32
        %broadcast_in_dim3A_57 = vector.broadcast %broadcast_in_dim3A : f32 to vector<16xf32>
        %mul3A_58 = arith.constant 16 : i32
        %mul3A_59 = arith.muli %scan3A_55, %mul3A_58 : i32
        %swap3A = arith.index_cast %scan3A_45 : i32 to index
        %swap3A_60 = arith.index_cast %mul3A_59 : i32 to index
        %swap3A_61 = tpu.vector_load %arg6[%swap3A, %swap3A_60] {strides = array<i32>} : memref<128x128xf32, #tpu.memory_space<vmem>>, vector<16xf32>,
        tpu.vector_store %arg6[%swap3A, %swap3A_60], %broadcast_in_dim3A_57 {strides = array<i32>} : memref<128x128xf32, #tpu.memory_space<vmem>>, vector<16xf32>,
        %scan3A_62 = arith.constant 0 : i32
        scf.yield %scan3A_62 : i32
      }
      %scan3A_53 = arith.constant 8 : i32
      %scan3A_54 = arith.constant 0 : i32
      scf.yield %scan3A_54 : i32
    }
    %scan3A_6 = arith.constant 128 : i32
    %mul3A_7 = arith.constant 640 : i32
    %mul3A_8 = arith.muli %arg1, %mul3A_7 : i32
    %add3A_9 = arith.constant 0 : i32
    %add3A_10 = arith.addi %mul3A_8, %add3A_9 : i32
    "tpu.region"() ({
      %run_scoped3A = tpu.sem_alloc : memref<!tpu.dma_semaphore, #tpu.memory_space<semaphore_mem>>
      %dma_start3A = arith.constant 0 : i32
      %dma_start3A_45 = tpu.memref_slice %arg7[%add3A_10, %dma_start3A] : memref<10240x128xf32, #tpu.memory_space<vmem_shared>> -> memref<128x128xf32, #tpu.memory_space<vmem_shared>>
      %dma_start3A_46 = arith.constant 0 : i32
      %dma_start3A_47 = tpu.memref_slice %arg7[%add3A_10, %dma_start3A_46] : memref<10240x128xf32, #tpu.memory_space<vmem_shared>> -> memref<128x128xf32, #tpu.memory_space<vmem_shared>>
      tpu.enqueue_dma source(%arg6 : memref<128x128xf32, #tpu.memory_space<vmem>>) target(%dma_start3A_47 : memref<128x128xf32, #tpu.memory_space<vmem_shared>>) target_semaphore(%run_scoped3A : memref<!tpu.dma_semaphore, #tpu.memory_space<semaphore_mem>>)
      %dma_wait3A = arith.constant 0 : i32
      %dma_wait3A_48 = tpu.memref_slice %arg7[%add3A_10, %dma_wait3A] : memref<10240x128xf32, #tpu.memory_space<vmem_shared>> -> memref<128x128xf32, #tpu.memory_space<vmem_shared>>
      %dma_wait3A_49 = arith.constant 0 : i32
      %dma_wait3A_50 = tpu.memref_slice %arg7[%add3A_10, %dma_wait3A_49] : memref<10240x128xf32, #tpu.memory_space<vmem_shared>> -> memref<128x128xf32, #tpu.memory_space<vmem_shared>>
      tpu.wait_dma2 semaphore(%run_scoped3A : memref<!tpu.dma_semaphore, #tpu.memory_space<semaphore_mem>>) src(%arg6 : memref<128x128xf32, #tpu.memory_space<vmem>>) dst(%dma_wait3A_50 : memref<128x128xf32, #tpu.memory_space<vmem_shared>>)
      tpu.yield
    }) : () -> ()
    %mul3A_11 = arith.constant 640 : i32
    %mul3A_12 = arith.muli %arg1, %mul3A_11 : i32
    %add3A_13 = arith.constant 128 : i32
    %add3A_14 = arith.addi %mul3A_12, %add3A_13 : i32
    "tpu.region"() ({
      %run_scoped3A = tpu.sem_alloc : memref<!tpu.dma_semaphore, #tpu.memory_space<semaphore_mem>>
      %dma_start3A = arith.constant 0 : i32
      %dma_start3A_45 = tpu.memref_slice %arg7[%add3A_14, %dma_start3A] : memref<10240x128xf32, #tpu.memory_space<vmem_shared>> -> memref<128x128xf32, #tpu.memory_space<vmem_shared>>
      %dma_start3A_46 = arith.constant 0 : i32
      %dma_start3A_47 = tpu.memref_slice %arg7[%add3A_14, %dma_start3A_46] : memref<10240x128xf32, #tpu.memory_space<vmem_shared>> -> memref<128x128xf32, #tpu.memory_space<vmem_shared>>
      tpu.enqueue_dma source(%arg6 : memref<128x128xf32, #tpu.memory_space<vmem>>) target(%dma_start3A_47 : memref<128x128xf32, #tpu.memory_space<vmem_shared>>) target_semaphore(%run_scoped3A : memref<!tpu.dma_semaphore, #tpu.memory_space<semaphore_mem>>)
      %dma_wait3A = arith.constant 0 : i32
      %dma_wait3A_48 = tpu.memref_slice %arg7[%add3A_14, %dma_wait3A] : memref<10240x128xf32, #tpu.memory_space<vmem_shared>> -> memref<128x128xf32, #tpu.memory_space<vmem_shared>>
      %dma_wait3A_49 = arith.constant 0 : i32
      %dma_wait3A_50 = tpu.memref_slice %arg7[%add3A_14, %dma_wait3A_49] : memref<10240x128xf32, #tpu.memory_space<vmem_shared>> -> memref<128x128xf32, #tpu.memory_space<vmem_shared>>
      tpu.wait_dma2 semaphore(%run_scoped3A : memref<!tpu.dma_semaphore, #tpu.memory_space<semaphore_mem>>) src(%arg6 : memref<128x128xf32, #tpu.memory_space<vmem>>) dst(%dma_wait3A_50 : memref<128x128xf32, #tpu.memory_space<vmem_shared>>)
      tpu.yield
    }) : () -> ()
    %mul3A_15 = arith.constant 640 : i32
    %mul3A_16 = arith.muli %arg1, %mul3A_15 : i32
    %add3A_17 = arith.constant 256 : i32
    %add3A_18 = arith.addi %mul3A_16, %add3A_17 : i32
    "tpu.region"() ({
      %run_scoped3A = tpu.sem_alloc : memref<!tpu.dma_semaphore, #tpu.memory_space<semaphore_mem>>
      %dma_start3A = arith.constant 0 : i32
      %dma_start3A_45 = tpu.memref_slice %arg7[%add3A_18, %dma_start3A] : memref<10240x128xf32, #tpu.memory_space<vmem_shared>> -> memref<128x128xf32, #tpu.memory_space<vmem_shared>>
      %dma_start3A_46 = arith.constant 0 : i32
      %dma_start3A_47 = tpu.memref_slice %arg7[%add3A_18, %dma_start3A_46] : memref<10240x128xf32, #tpu.memory_space<vmem_shared>> -> memref<128x128xf32, #tpu.memory_space<vmem_shared>>
      tpu.enqueue_dma source(%arg6 : memref<128x128xf32, #tpu.memory_space<vmem>>) target(%dma_start3A_47 : memref<128x128xf32, #tpu.memory_space<vmem_shared>>) target_semaphore(%run_scoped3A : memref<!tpu.dma_semaphore, #tpu.memory_space<semaphore_mem>>)
      %dma_wait3A = arith.constant 0 : i32
      %dma_wait3A_48 = tpu.memref_slice %arg7[%add3A_18, %dma_wait3A] : memref<10240x128xf32, #tpu.memory_space<vmem_shared>> -> memref<128x128xf32, #tpu.memory_space<vmem_shared>>
      %dma_wait3A_49 = arith.constant 0 : i32
      %dma_wait3A_50 = tpu.memref_slice %arg7[%add3A_18, %dma_wait3A_49] : memref<10240x128xf32, #tpu.memory_space<vmem_shared>> -> memref<128x128xf32, #tpu.memory_space<vmem_shared>>
      tpu.wait_dma2 semaphore(%run_scoped3A : memref<!tpu.dma_semaphore, #tpu.memory_space<semaphore_mem>>) src(%arg6 : memref<128x128xf32, #tpu.memory_space<vmem>>) dst(%dma_wait3A_50 : memref<128x128xf32, #tpu.memory_space<vmem_shared>>)
      tpu.yield
    }) : () -> ()
    %mul3A_19 = arith.constant 640 : i32
    %mul3A_20 = arith.muli %arg1, %mul3A_19 : i32
    %add3A_21 = arith.constant 384 : i32
    %add3A_22 = arith.addi %mul3A_20, %add3A_21 : i32
    "tpu.region"() ({
      %run_scoped3A = tpu.sem_alloc : memref<!tpu.dma_semaphore, #tpu.memory_space<semaphore_mem>>
      %dma_start3A = arith.constant 0 : i32
      %dma_start3A_45 = tpu.memref_slice %arg7[%add3A_22, %dma_start3A] : memref<10240x128xf32, #tpu.memory_space<vmem_shared>> -> memref<128x128xf32, #tpu.memory_space<vmem_shared>>
      %dma_start3A_46 = arith.constant 0 : i32
      %dma_start3A_47 = tpu.memref_slice %arg7[%add3A_22, %dma_start3A_46] : memref<10240x128xf32, #tpu.memory_space<vmem_shared>> -> memref<128x128xf32, #tpu.memory_space<vmem_shared>>
      tpu.enqueue_dma source(%arg6 : memref<128x128xf32, #tpu.memory_space<vmem>>) target(%dma_start3A_47 : memref<128x128xf32, #tpu.memory_space<vmem_shared>>) target_semaphore(%run_scoped3A : memref<!tpu.dma_semaphore, #tpu.memory_space<semaphore_mem>>)
      %dma_wait3A = arith.constant 0 : i32
      %dma_wait3A_48 = tpu.memref_slice %arg7[%add3A_22, %dma_wait3A] : memref<10240x128xf32, #tpu.memory_space<vmem_shared>> -> memref<128x128xf32, #tpu.memory_space<vmem_shared>>
      %dma_wait3A_49 = arith.constant 0 : i32
      %dma_wait3A_50 = tpu.memref_slice %arg7[%add3A_22, %dma_wait3A_49] : memref<10240x128xf32, #tpu.memory_space<vmem_shared>> -> memref<128x128xf32, #tpu.memory_space<vmem_shared>>
      tpu.wait_dma2 semaphore(%run_scoped3A : memref<!tpu.dma_semaphore, #tpu.memory_space<semaphore_mem>>) src(%arg6 : memref<128x128xf32, #tpu.memory_space<vmem>>) dst(%dma_wait3A_50 : memref<128x128xf32, #tpu.memory_space<vmem_shared>>)
      tpu.yield
    }) : () -> ()
    %mul3A_23 = arith.constant 640 : i32
    %mul3A_24 = arith.muli %arg1, %mul3A_23 : i32
    %add3A_25 = arith.constant 512 : i32
    %add3A_26 = arith.addi %mul3A_24, %add3A_25 : i32
    "tpu.region"() ({
      %run_scoped3A = tpu.sem_alloc : memref<!tpu.dma_semaphore, #tpu.memory_space<semaphore_mem>>
      %dma_start3A = arith.constant 0 : i32
      %dma_start3A_45 = tpu.memref_slice %arg7[%add3A_26, %dma_start3A] : memref<10240x128xf32, #tpu.memory_space<vmem_shared>> -> memref<128x128xf32, #tpu.memory_space<vmem_shared>>
      %dma_start3A_46 = arith.constant 0 : i32
      %dma_start3A_47 = tpu.memref_slice %arg7[%add3A_26, %dma_start3A_46] : memref<10240x128xf32, #tpu.memory_space<vmem_shared>> -> memref<128x128xf32, #tpu.memory_space<vmem_shared>>
      tpu.enqueue_dma source(%arg6 : memref<128x128xf32, #tpu.memory_space<vmem>>) target(%dma_start3A_47 : memref<128x128xf32, #tpu.memory_space<vmem_shared>>) target_semaphore(%run_scoped3A : memref<!tpu.dma_semaphore, #tpu.memory_space<semaphore_mem>>)
      %dma_wait3A = arith.constant 0 : i32
      %dma_wait3A_48 = tpu.memref_slice %arg7[%add3A_26, %dma_wait3A] : memref<10240x128xf32, #tpu.memory_space<vmem_shared>> -> memref<128x128xf32, #tpu.memory_space<vmem_shared>>
      %dma_wait3A_49 = arith.constant 0 : i32
      %dma_wait3A_50 = tpu.memref_slice %arg7[%add3A_26, %dma_wait3A_49] : memref<10240x128xf32, #tpu.memory_space<vmem_shared>> -> memref<128x128xf32, #tpu.memory_space<vmem_shared>>
      tpu.wait_dma2 semaphore(%run_scoped3A : memref<!tpu.dma_semaphore, #tpu.memory_space<semaphore_mem>>) src(%arg6 : memref<128x128xf32, #tpu.memory_space<vmem>>) dst(%dma_wait3A_50 : memref<128x128xf32, #tpu.memory_space<vmem_shared>>)
      tpu.yield
    }) : () -> ()
    %barrier3A = arith.constant 0 : index
    tpu.barrier barrier_id(%barrier3A)
    %eq3A = arith.constant 0 : i32
    %eq3A_27 = arith.cmpi eq, %arg0, %eq3A : i32
    %jit3A = arith.constant 103 : i32
    %jit3A_28 = arith.constant 54 : i32
    %select_n3A = arith.select %eq3A_27, %jit3A, %jit3A_28 : i32
    %while3A = arith.constant 0 : i32
    %while3A_29 = arith.constant 0 : i32
    %while3A_30 = arith.subi %select_n3A, %while3A : i32
    %while3A_31 = arith.addi %while3A, %while3A_30 : i32
    %while3A_32 = arith.constant 1 : i32
    %while3A_33 = arith.divsi %while3A_30, %while3A_32 : i32
    %while3A_34 = arith.muli %while3A_33, %while3A_32 : i32
    %while3A_35 = arith.addi %while3A, %while3A_34 : i32
    %while3A_36 = arith.constant 1 : i32
    %while3A_37 = scf.for %while3A_45 = %while3A to %while3A_35 step %while3A_36 iter_args(%while3A_46 = %while3A_29) -> (i32)  : i32 {
      "tpu.region"() ({
        %run_scoped3A_60 = tpu.sem_alloc : memref<!tpu.dma_semaphore, #tpu.memory_space<semaphore_mem>>
        %dma_start3A_61 = arith.constant 0 : i32
        %dma_start3A_62 = arith.constant 0 : i32
        %dma_start3A_63 = tpu.memref_slice %arg3[%add3A, %while3A_45, %dma_start3A_61, %dma_start3A_62] : memref<32x103x2x128xi32, #tpu.memory_space<hbm>> -> memref<1x1x2x128xi32, #tpu.memory_space<hbm>>
        %dma_start3A_64 = tpu.memref_squeeze %dma_start3A_63 : memref<1x1x2x128xi32, #tpu.memory_space<hbm>> -> memref<2x128xi32, #tpu.memory_space<hbm>>
        %dma_start3A_65 = arith.constant 0 : i32
        %dma_start3A_66 = arith.constant 0 : i32
        %dma_start3A_67 = tpu.memref_slice %arg3[%add3A, %while3A_45, %dma_start3A_65, %dma_start3A_66] : memref<32x103x2x128xi32, #tpu.memory_space<hbm>> -> memref<1x1x2x128xi32, #tpu.memory_space<hbm>>
        %dma_start3A_68 = tpu.memref_squeeze %dma_start3A_67 : memref<1x1x2x128xi32, #tpu.memory_space<hbm>> -> memref<2x128xi32, #tpu.memory_space<hbm>>
        tpu.enqueue_dma source(%dma_start3A_68 : memref<2x128xi32, #tpu.memory_space<hbm>>) target(%arg5 : memref<2x128xi32, #tpu.memory_space<vmem>>) target_semaphore(%run_scoped3A_60 : memref<!tpu.dma_semaphore, #tpu.memory_space<semaphore_mem>>)
        %dma_wait3A_69 = arith.constant 0 : i32
        %dma_wait3A_70 = arith.constant 0 : i32
        %dma_wait3A_71 = tpu.memref_slice %arg3[%add3A, %while3A_45, %dma_wait3A_69, %dma_wait3A_70] : memref<32x103x2x128xi32, #tpu.memory_space<hbm>> -> memref<1x1x2x128xi32, #tpu.memory_space<hbm>>
        %dma_wait3A_72 = tpu.memref_squeeze %dma_wait3A_71 : memref<1x1x2x128xi32, #tpu.memory_space<hbm>> -> memref<2x128xi32, #tpu.memory_space<hbm>>
        %dma_wait3A_73 = arith.constant 0 : i32
        %dma_wait3A_74 = arith.constant 0 : i32
        %dma_wait3A_75 = tpu.memref_slice %arg3[%add3A, %while3A_45, %dma_wait3A_73, %dma_wait3A_74] : memref<32x103x2x128xi32, #tpu.memory_space<hbm>> -> memref<1x1x2x128xi32, #tpu.memory_space<hbm>>
        %dma_wait3A_76 = tpu.memref_squeeze %dma_wait3A_75 : memref<1x1x2x128xi32, #tpu.memory_space<hbm>> -> memref<2x128xi32, #tpu.memory_space<hbm>>
        tpu.wait_dma2 semaphore(%run_scoped3A_60 : memref<!tpu.dma_semaphore, #tpu.memory_space<semaphore_mem>>) src(%dma_wait3A_76 : memref<2x128xi32, #tpu.memory_space<hbm>>) dst(%arg5 : memref<2x128xi32, #tpu.memory_space<vmem>>)
        tpu.yield
      }) : () -> ()
      %dma_start3A = arith.constant 0 : i32
      %dma_start3A_47 = arith.constant 0 : i32
      %dma_start3A_48 = tpu.memref_slice %arg5[%dma_start3A, %dma_start3A_47] : memref<2x128xi32, #tpu.memory_space<vmem>> -> memref<1x128xi32, #tpu.memory_space<vmem>>
      %dma_start3A_49 = tpu.memref_squeeze %dma_start3A_48 : memref<1x128xi32, #tpu.memory_space<vmem>> -> memref<128xi32, #tpu.memory_space<vmem>>
      %dma_start3A_50 = arith.constant 0 : i32
      %dma_start3A_51 = arith.constant 0 : i32
      %dma_start3A_52 = tpu.memref_slice %arg2[%dma_start3A_50, %dma_start3A_51] : memref<10240x128xf32, #tpu.memory_space<hbm>> -> memref<10240x128xf32, #tpu.memory_space<hbm>>
      tpu.enqueue_indirect_dma source(%dma_start3A_52 : memref<10240x128xf32, #tpu.memory_space<hbm>>) target(%arg6 : memref<128x128xf32, #tpu.memory_space<vmem>>) offsets(%dma_start3A_49 : memref<128xi32, #tpu.memory_space<vmem>>) semaphore(%arg8 : memref<!tpu.dma_semaphore, #tpu.memory_space<semaphore_mem>>)
      %dma_wait3A = arith.constant 0 : i32
      %dma_wait3A_53 = arith.constant 0 : i32
      %dma_wait3A_54 = tpu.memref_slice %arg5[%dma_wait3A, %dma_wait3A_53] : memref<2x128xi32, #tpu.memory_space<vmem>> -> memref<1x128xi32, #tpu.memory_space<vmem>>
      %dma_wait3A_55 = tpu.memref_squeeze %dma_wait3A_54 : memref<1x128xi32, #tpu.memory_space<vmem>> -> memref<128xi32, #tpu.memory_space<vmem>>
      %dma_wait3A_56 = arith.constant 0 : i32
      %dma_wait3A_57 = arith.constant 0 : i32
      %dma_wait3A_58 = tpu.memref_slice %arg2[%dma_wait3A_56, %dma_wait3A_57] : memref<10240x128xf32, #tpu.memory_space<hbm>> -> memref<10240x128xf32, #tpu.memory_space<hbm>>
      tpu.wait_indirect_dma semaphore(%arg8 : memref<!tpu.dma_semaphore, #tpu.memory_space<semaphore_mem>>) src(%dma_wait3A_58 : memref<10240x128xf32, #tpu.memory_space<hbm>>) dst(%arg6 : memref<128x128xf32, #tpu.memory_space<vmem>>)
      %run_scoped3A = arith.constant 1 : i32
      "tpu.region"() ({
        %run_scoped3A_60 = tpu.sem_alloc : memref<!tpu.dma_semaphore, #tpu.memory_space<semaphore_mem>>
        %dma_start3A_61 = arith.constant 0 : i32
        %dma_start3A_62 = tpu.memref_slice %arg5[%run_scoped3A, %dma_start3A_61] : memref<2x128xi32, #tpu.memory_space<vmem>> -> memref<1x128xi32, #tpu.memory_space<vmem>>
        %dma_start3A_63 = tpu.memref_squeeze %dma_start3A_62 : memref<1x128xi32, #tpu.memory_space<vmem>> -> memref<128xi32, #tpu.memory_space<vmem>>
        %dma_start3A_64 = arith.constant 0 : i32
        %dma_start3A_65 = arith.constant 0 : i32
        %dma_start3A_66 = tpu.memref_slice %arg7[%dma_start3A_64, %dma_start3A_65] : memref<10240x128xf32, #tpu.memory_space<vmem_shared>> -> memref<10240x128xf32, #tpu.memory_space<vmem_shared>>
        tpu.enqueue_indirect_dma source(%arg6 : memref<128x128xf32, #tpu.memory_space<vmem>>) target(%dma_start3A_66 : memref<10240x128xf32, #tpu.memory_space<vmem_shared>>) offsets(%dma_start3A_63 : memref<128xi32, #tpu.memory_space<vmem>>) semaphore(%run_scoped3A_60 : memref<!tpu.dma_semaphore, #tpu.memory_space<semaphore_mem>>) {add = true}
        %dma_wait3A_67 = arith.constant 0 : i32
        %dma_wait3A_68 = tpu.memref_slice %arg5[%run_scoped3A, %dma_wait3A_67] : memref<2x128xi32, #tpu.memory_space<vmem>> -> memref<1x128xi32, #tpu.memory_space<vmem>>
        %dma_wait3A_69 = tpu.memref_squeeze %dma_wait3A_68 : memref<1x128xi32, #tpu.memory_space<vmem>> -> memref<128xi32, #tpu.memory_space<vmem>>
        %dma_wait3A_70 = arith.constant 0 : i32
        %dma_wait3A_71 = arith.constant 0 : i32
        %dma_wait3A_72 = tpu.memref_slice %arg7[%dma_wait3A_70, %dma_wait3A_71] : memref<10240x128xf32, #tpu.memory_space<vmem_shared>> -> memref<10240x128xf32, #tpu.memory_space<vmem_shared>>
        tpu.wait_indirect_dma semaphore(%run_scoped3A_60 : memref<!tpu.dma_semaphore, #tpu.memory_space<semaphore_mem>>) src(%arg6 : memref<128x128xf32, #tpu.memory_space<vmem>>) dst(%dma_wait3A_72 : memref<10240x128xf32, #tpu.memory_space<vmem_shared>>)
        tpu.yield
      }) : () -> ()
      %while3A_59 = arith.constant 0 : i32
      scf.yield %while3A_59 : i32
    }
    %while3A_38 = arith.constant 1 : i32
    %while3A_39 = scf.for %while3A_45 = %while3A_35 to %while3A_31 step %while3A_38 iter_args(%while3A_46 = %while3A_37) -> (i32)  : i32 {
      "tpu.region"() ({
        %run_scoped3A_60 = tpu.sem_alloc : memref<!tpu.dma_semaphore, #tpu.memory_space<semaphore_mem>>
        %dma_start3A_61 = arith.constant 0 : i32
        %dma_start3A_62 = arith.constant 0 : i32
        %dma_start3A_63 = tpu.memref_slice %arg3[%add3A, %while3A_45, %dma_start3A_61, %dma_start3A_62] : memref<32x103x2x128xi32, #tpu.memory_space<hbm>> -> memref<1x1x2x128xi32, #tpu.memory_space<hbm>>
        %dma_start3A_64 = tpu.memref_squeeze %dma_start3A_63 : memref<1x1x2x128xi32, #tpu.memory_space<hbm>> -> memref<2x128xi32, #tpu.memory_space<hbm>>
        %dma_start3A_65 = arith.constant 0 : i32
        %dma_start3A_66 = arith.constant 0 : i32
        %dma_start3A_67 = tpu.memref_slice %arg3[%add3A, %while3A_45, %dma_start3A_65, %dma_start3A_66] : memref<32x103x2x128xi32, #tpu.memory_space<hbm>> -> memref<1x1x2x128xi32, #tpu.memory_space<hbm>>
        %dma_start3A_68 = tpu.memref_squeeze %dma_start3A_67 : memref<1x1x2x128xi32, #tpu.memory_space<hbm>> -> memref<2x128xi32, #tpu.memory_space<hbm>>
        tpu.enqueue_dma source(%dma_start3A_68 : memref<2x128xi32, #tpu.memory_space<hbm>>) target(%arg5 : memref<2x128xi32, #tpu.memory_space<vmem>>) target_semaphore(%run_scoped3A_60 : memref<!tpu.dma_semaphore, #tpu.memory_space<semaphore_mem>>)
        %dma_wait3A_69 = arith.constant 0 : i32
        %dma_wait3A_70 = arith.constant 0 : i32
        %dma_wait3A_71 = tpu.memref_slice %arg3[%add3A, %while3A_45, %dma_wait3A_69, %dma_wait3A_70] : memref<32x103x2x128xi32, #tpu.memory_space<hbm>> -> memref<1x1x2x128xi32, #tpu.memory_space<hbm>>
        %dma_wait3A_72 = tpu.memref_squeeze %dma_wait3A_71 : memref<1x1x2x128xi32, #tpu.memory_space<hbm>> -> memref<2x128xi32, #tpu.memory_space<hbm>>
        %dma_wait3A_73 = arith.constant 0 : i32
        %dma_wait3A_74 = arith.constant 0 : i32
        %dma_wait3A_75 = tpu.memref_slice %arg3[%add3A, %while3A_45, %dma_wait3A_73, %dma_wait3A_74] : memref<32x103x2x128xi32, #tpu.memory_space<hbm>> -> memref<1x1x2x128xi32, #tpu.memory_space<hbm>>
        %dma_wait3A_76 = tpu.memref_squeeze %dma_wait3A_75 : memref<1x1x2x128xi32, #tpu.memory_space<hbm>> -> memref<2x128xi32, #tpu.memory_space<hbm>>
        tpu.wait_dma2 semaphore(%run_scoped3A_60 : memref<!tpu.dma_semaphore, #tpu.memory_space<semaphore_mem>>) src(%dma_wait3A_76 : memref<2x128xi32, #tpu.memory_space<hbm>>) dst(%arg5 : memref<2x128xi32, #tpu.memory_space<vmem>>)
        tpu.yield
      }) : () -> ()
      %dma_start3A = arith.constant 0 : i32
      %dma_start3A_47 = arith.constant 0 : i32
      %dma_start3A_48 = tpu.memref_slice %arg5[%dma_start3A, %dma_start3A_47] : memref<2x128xi32, #tpu.memory_space<vmem>> -> memref<1x128xi32, #tpu.memory_space<vmem>>
      %dma_start3A_49 = tpu.memref_squeeze %dma_start3A_48 : memref<1x128xi32, #tpu.memory_space<vmem>> -> memref<128xi32, #tpu.memory_space<vmem>>
      %dma_start3A_50 = arith.constant 0 : i32
      %dma_start3A_51 = arith.constant 0 : i32
      %dma_start3A_52 = tpu.memref_slice %arg2[%dma_start3A_50, %dma_start3A_51] : memref<10240x128xf32, #tpu.memory_space<hbm>> -> memref<10240x128xf32, #tpu.memory_space<hbm>>
      tpu.enqueue_indirect_dma source(%dma_start3A_52 : memref<10240x128xf32, #tpu.memory_space<hbm>>) target(%arg6 : memref<128x128xf32, #tpu.memory_space<vmem>>) offsets(%dma_start3A_49 : memref<128xi32, #tpu.memory_space<vmem>>) semaphore(%arg8 : memref<!tpu.dma_semaphore, #tpu.memory_space<semaphore_mem>>)
      %dma_wait3A = arith.constant 0 : i32
      %dma_wait3A_53 = arith.constant 0 : i32
      %dma_wait3A_54 = tpu.memref_slice %arg5[%dma_wait3A, %dma_wait3A_53] : memref<2x128xi32, #tpu.memory_space<vmem>> -> memref<1x128xi32, #tpu.memory_space<vmem>>
      %dma_wait3A_55 = tpu.memref_squeeze %dma_wait3A_54 : memref<1x128xi32, #tpu.memory_space<vmem>> -> memref<128xi32, #tpu.memory_space<vmem>>
      %dma_wait3A_56 = arith.constant 0 : i32
      %dma_wait3A_57 = arith.constant 0 : i32
      %dma_wait3A_58 = tpu.memref_slice %arg2[%dma_wait3A_56, %dma_wait3A_57] : memref<10240x128xf32, #tpu.memory_space<hbm>> -> memref<10240x128xf32, #tpu.memory_space<hbm>>
      tpu.wait_indirect_dma semaphore(%arg8 : memref<!tpu.dma_semaphore, #tpu.memory_space<semaphore_mem>>) src(%dma_wait3A_58 : memref<10240x128xf32, #tpu.memory_space<hbm>>) dst(%arg6 : memref<128x128xf32, #tpu.memory_space<vmem>>)
      %run_scoped3A = arith.constant 1 : i32
      "tpu.region"() ({
        %run_scoped3A_60 = tpu.sem_alloc : memref<!tpu.dma_semaphore, #tpu.memory_space<semaphore_mem>>
        %dma_start3A_61 = arith.constant 0 : i32
        %dma_start3A_62 = tpu.memref_slice %arg5[%run_scoped3A, %dma_start3A_61] : memref<2x128xi32, #tpu.memory_space<vmem>> -> memref<1x128xi32, #tpu.memory_space<vmem>>
        %dma_start3A_63 = tpu.memref_squeeze %dma_start3A_62 : memref<1x128xi32, #tpu.memory_space<vmem>> -> memref<128xi32, #tpu.memory_space<vmem>>
        %dma_start3A_64 = arith.constant 0 : i32
        %dma_start3A_65 = arith.constant 0 : i32
        %dma_start3A_66 = tpu.memref_slice %arg7[%dma_start3A_64, %dma_start3A_65] : memref<10240x128xf32, #tpu.memory_space<vmem_shared>> -> memref<10240x128xf32, #tpu.memory_space<vmem_shared>>
        tpu.enqueue_indirect_dma source(%arg6 : memref<128x128xf32, #tpu.memory_space<vmem>>) target(%dma_start3A_66 : memref<10240x128xf32, #tpu.memory_space<vmem_shared>>) offsets(%dma_start3A_63 : memref<128xi32, #tpu.memory_space<vmem>>) semaphore(%run_scoped3A_60 : memref<!tpu.dma_semaphore, #tpu.memory_space<semaphore_mem>>) {add = true}
        %dma_wait3A_67 = arith.constant 0 : i32
        %dma_wait3A_68 = tpu.memref_slice %arg5[%run_scoped3A, %dma_wait3A_67] : memref<2x128xi32, #tpu.memory_space<vmem>> -> memref<1x128xi32, #tpu.memory_space<vmem>>
        %dma_wait3A_69 = tpu.memref_squeeze %dma_wait3A_68 : memref<1x128xi32, #tpu.memory_space<vmem>> -> memref<128xi32, #tpu.memory_space<vmem>>
        %dma_wait3A_70 = arith.constant 0 : i32
        %dma_wait3A_71 = arith.constant 0 : i32
        %dma_wait3A_72 = tpu.memref_slice %arg7[%dma_wait3A_70, %dma_wait3A_71] : memref<10240x128xf32, #tpu.memory_space<vmem_shared>> -> memref<10240x128xf32, #tpu.memory_space<vmem_shared>>
        tpu.wait_indirect_dma semaphore(%run_scoped3A_60 : memref<!tpu.dma_semaphore, #tpu.memory_space<semaphore_mem>>) src(%arg6 : memref<128x128xf32, #tpu.memory_space<vmem>>) dst(%dma_wait3A_72 : memref<10240x128xf32, #tpu.memory_space<vmem_shared>>)
        tpu.yield
      }) : () -> ()
      %while3A_59 = arith.constant 0 : i32
      scf.yield %while3A_59 : i32
    }
    %barrier3A_40 = arith.constant 0 : index
    tpu.barrier barrier_id(%barrier3A_40)
    %mul3A_41 = arith.constant 640 : i32
    %mul3A_42 = arith.muli %arg1, %mul3A_41 : i32
    %mul3A_43 = arith.constant 640 : i32
    %mul3A_44 = arith.muli %arg1, %mul3A_43 : i32
    "tpu.region"() ({
      %run_scoped3A = tpu.sem_alloc : memref<!tpu.dma_semaphore, #tpu.memory_space<semaphore_mem>>
      %dma_start3A = arith.constant 0 : i32
      %dma_start3A_45 = tpu.memref_slice %arg4[%arg0, %mul3A_44, %dma_start3A] : memref<2x10240x128xf32, #tpu.memory_space<hbm>> -> memref<1x640x128xf32, #tpu.memory_space<hbm>>
      %dma_start3A_46 = tpu.memref_squeeze %dma_start3A_45 : memref<1x640x128xf32, #tpu.memory_space<hbm>> -> memref<640x128xf32, #tpu.memory_space<hbm>>
      %dma_start3A_47 = arith.constant 0 : i32
      %dma_start3A_48 = tpu.memref_slice %arg7[%mul3A_42, %dma_start3A_47] : memref<10240x128xf32, #tpu.memory_space<vmem_shared>> -> memref<640x128xf32, #tpu.memory_space<vmem_shared>>
      tpu.enqueue_dma source(%dma_start3A_48 : memref<640x128xf32, #tpu.memory_space<vmem_shared>>) target(%dma_start3A_46 : memref<640x128xf32, #tpu.memory_space<hbm>>) target_semaphore(%run_scoped3A : memref<!tpu.dma_semaphore, #tpu.memory_space<semaphore_mem>>)
      %dma_wait3A = arith.constant 0 : i32
      %dma_wait3A_49 = tpu.memref_slice %arg4[%arg0, %mul3A_44, %dma_wait3A] : memref<2x10240x128xf32, #tpu.memory_space<hbm>> -> memref<1x640x128xf32, #tpu.memory_space<hbm>>
      %dma_wait3A_50 = tpu.memref_squeeze %dma_wait3A_49 : memref<1x640x128xf32, #tpu.memory_space<hbm>> -> memref<640x128xf32, #tpu.memory_space<hbm>>
      %dma_wait3A_51 = arith.constant 0 : i32
      %dma_wait3A_52 = tpu.memref_slice %arg7[%mul3A_42, %dma_wait3A_51] : memref<10240x128xf32, #tpu.memory_space<vmem_shared>> -> memref<640x128xf32, #tpu.memory_space<vmem_shared>>
      tpu.wait_dma2 semaphore(%run_scoped3A : memref<!tpu.dma_semaphore, #tpu.memory_space<semaphore_mem>>) src(%dma_wait3A_52 : memref<640x128xf32, #tpu.memory_space<vmem_shared>>) dst(%dma_wait3A_50 : memref<640x128xf32, #tpu.memory_space<hbm>>)
      tpu.yield
    }) : () -> ()
    return
  }
}

module attributes {stable_mosaic.version = 14 : i64} {
  func.func @_tc3_body(%arg0: i32, %arg1: memref<2x512x128xf32, #tpu.memory_space<vmem>>, %arg2: memref<512x128xf32, #tpu.memory_space<vmem>>, %arg3: memref<32x512xf32, #tpu.memory_space<vmem>>, %arg4: memref<1x128xf32, #tpu.memory_space<vmem>>, %arg5: memref<512x128xf32, #tpu.memory_space<vmem>>) attributes {dimension_semantics = [#tpu.dimension_semantics<arbitrary>], iteration_bounds = array<i64: 20>, scalar_prefetch = 0 : i64, scratch_operands = 0 : i64, tpu.core_type = #tpu.core_type<tc>, window_params = [{transform_indices = @transform_0, window_bounds = array<i64: 2, 512, 128>}, {transform_indices = @transform_1, window_bounds = array<i64: 512, 128>}, {transform_indices = @transform_2, window_bounds = array<i64: 32, 512>}, {pipeline_mode = #tpu.pipeline_mode<synchronous>, transform_indices = @transform_3, window_bounds = array<i64: 1, 128>}, {transform_indices = @transform_4, window_bounds = array<i64: 512, 128>}]} {
    %get3A = arith.constant 0 : index
    %get3A_0 = arith.constant 0 : index
    %get3A_1 = vector.load %arg3[%get3A, %get3A_0] : memref<32x512xf32, #tpu.memory_space<vmem>>, vector<32x512xf32>
    %reduce_sum3A = arith.constant dense<0.000000e+00> : vector<512xf32>
    %reduce_sum3A_2 = vector.multi_reduction <add>, %get3A_1, %reduce_sum3A [0] : vector<32x512xf32> to vector<512xf32>
    %add3A = arith.constant 1.000000e+00 : f32
    %add3A_3 = vector.broadcast %add3A : f32 to vector<512xf32>
    %add3A_4 = arith.addf %reduce_sum3A_2, %add3A_3 : vector<512xf32>
    %rsqrt3A = math.rsqrt %add3A_4 : vector<512xf32>
    %reshape3A = vector.shape_cast %rsqrt3A : vector<512xf32> to vector<512x1xf32>
    %get3A_5 = arith.constant 0 : index
    %get3A_6 = arith.constant 0 : index
    %get3A_7 = arith.constant 0 : index
    %get3A_8 = vector.load %arg1[%get3A_5, %get3A_6, %get3A_7] : memref<2x512x128xf32, #tpu.memory_space<vmem>>, vector<1x512x128xf32>
    %get3A_9 = vector.shape_cast %get3A_8 : vector<1x512x128xf32> to vector<512x128xf32>
    %get3A_10 = arith.constant 1 : index
    %get3A_11 = arith.constant 0 : index
    %get3A_12 = arith.constant 0 : index
    %get3A_13 = vector.load %arg1[%get3A_10, %get3A_11, %get3A_12] : memref<2x512x128xf32, #tpu.memory_space<vmem>>, vector<1x512x128xf32>
    %get3A_14 = vector.shape_cast %get3A_13 : vector<1x512x128xf32> to vector<512x128xf32>
    %add3A_15 = arith.addf %get3A_9, %get3A_14 : vector<512x128xf32>
    %get3A_16 = arith.constant 0 : index
    %get3A_17 = arith.constant 0 : index
    %get3A_18 = vector.load %arg2[%get3A_16, %get3A_17] : memref<512x128xf32, #tpu.memory_space<vmem>>, vector<512x128xf32>
    %add3A_19 = arith.addf %add3A_15, %get3A_18 : vector<512x128xf32>
    %mul3A = vector.broadcast %reshape3A : vector<512x1xf32> to vector<512x128xf32>
    %mul3A_20 = arith.mulf %mul3A, %add3A_19 : vector<512x128xf32>
    %get3A_21 = arith.constant 0 : index
    %get3A_22 = arith.constant 0 : index
    %get3A_23 = vector.load %arg4[%get3A_21, %get3A_22] : memref<1x128xf32, #tpu.memory_space<vmem>>, vector<1x128xf32>
    %add3A_24 = vector.broadcast %get3A_23 : vector<1x128xf32> to vector<512x128xf32>
    %add3A_25 = arith.addf %mul3A_20, %add3A_24 : vector<512x128xf32>
    %swap3A = arith.constant 0 : index
    %swap3A_26 = arith.constant 0 : index
    %swap3A_27 = vector.load %arg5[%swap3A, %swap3A_26] : memref<512x128xf32, #tpu.memory_space<vmem>>, vector<512x128xf32>
    tpu.vector_store %arg5[%swap3A, %swap3A_26], %add3A_25 {strides = array<i32>} : memref<512x128xf32, #tpu.memory_space<vmem>>, vector<512x128xf32>,
    return
  }
  func.func @transform_0(%arg0: i32) -> (i32, i32, i32) {
    %c0_i32 = arith.constant 0 : i32
    %c0_i32_0 = arith.constant 0 : i32
    %c0_i32_1 = arith.constant 0 : i32
    return %c0_i32, %arg0, %c0_i32_0 : i32, i32, i32
  }
  func.func @transform_1(%arg0: i32) -> (i32, i32) {
    %c0_i32 = arith.constant 0 : i32
    %c0_i32_0 = arith.constant 0 : i32
    return %arg0, %c0_i32 : i32, i32
  }
  func.func @transform_2(%arg0: i32) -> (i32, i32) {
    %c0_i32 = arith.constant 0 : i32
    %c0_i32_0 = arith.constant 0 : i32
    return %c0_i32, %arg0 : i32, i32
  }
  func.func @transform_3(%arg0: i32) -> (i32, i32) {
    %c0_i32 = arith.constant 0 : i32
    %c0_i32_0 = arith.constant 0 : i32
    %c0_i32_1 = arith.constant 0 : i32
    return %c0_i32, %c0_i32_0 : i32, i32
  }
  func.func @transform_4(%arg0: i32) -> (i32, i32) {
    %c0_i32 = arith.constant 0 : i32
    %c0_i32_0 = arith.constant 0 : i32
    return %arg0, %c0_i32 : i32, i32
  }
}

module attributes {stable_mosaic.version = 14 : i64} {
  func.func @_tc2_body(%arg0: i32, %arg1: memref<2x512x128xf32, #tpu.memory_space<vmem>>, %arg2: memref<512x128xf32, #tpu.memory_space<vmem>>, %arg3: memref<32x512xf32, #tpu.memory_space<vmem>>, %arg4: memref<1x128xf32, #tpu.memory_space<vmem>>, %arg5: memref<128x128xf32, #tpu.memory_space<vmem>>, %arg6: memref<512x128xf32, #tpu.memory_space<vmem>>) attributes {dimension_semantics = [#tpu.dimension_semantics<arbitrary>], iteration_bounds = array<i64: 20>, scalar_prefetch = 0 : i64, scratch_operands = 0 : i64, tpu.core_type = #tpu.core_type<tc>, window_params = [{transform_indices = @transform_0, window_bounds = array<i64: 2, 512, 128>}, {transform_indices = @transform_1, window_bounds = array<i64: 512, 128>}, {transform_indices = @transform_2, window_bounds = array<i64: 32, 512>}, {pipeline_mode = #tpu.pipeline_mode<synchronous>, transform_indices = @transform_3, window_bounds = array<i64: 1, 128>}, {pipeline_mode = #tpu.pipeline_mode<synchronous>, transform_indices = @transform_4, window_bounds = array<i64: 128, 128>}, {transform_indices = @transform_5, window_bounds = array<i64: 512, 128>}]} {
    %get3A = arith.constant 0 : index
    %get3A_0 = arith.constant 0 : index
    %get3A_1 = vector.load %arg3[%get3A, %get3A_0] : memref<32x512xf32, #tpu.memory_space<vmem>>, vector<32x512xf32>
    %reduce_sum3A = arith.constant dense<0.000000e+00> : vector<512xf32>
    %reduce_sum3A_2 = vector.multi_reduction <add>, %get3A_1, %reduce_sum3A [0] : vector<32x512xf32> to vector<512xf32>
    %add3A = arith.constant 1.000000e+00 : f32
    %add3A_3 = vector.broadcast %add3A : f32 to vector<512xf32>
    %add3A_4 = arith.addf %reduce_sum3A_2, %add3A_3 : vector<512xf32>
    %rsqrt3A = math.rsqrt %add3A_4 : vector<512xf32>
    %reshape3A = vector.shape_cast %rsqrt3A : vector<512xf32> to vector<512x1xf32>
    %get3A_5 = arith.constant 0 : index
    %get3A_6 = arith.constant 0 : index
    %get3A_7 = arith.constant 0 : index
    %get3A_8 = vector.load %arg1[%get3A_5, %get3A_6, %get3A_7] : memref<2x512x128xf32, #tpu.memory_space<vmem>>, vector<1x512x128xf32>
    %get3A_9 = vector.shape_cast %get3A_8 : vector<1x512x128xf32> to vector<512x128xf32>
    %get3A_10 = arith.constant 1 : index
    %get3A_11 = arith.constant 0 : index
    %get3A_12 = arith.constant 0 : index
    %get3A_13 = vector.load %arg1[%get3A_10, %get3A_11, %get3A_12] : memref<2x512x128xf32, #tpu.memory_space<vmem>>, vector<1x512x128xf32>
    %get3A_14 = vector.shape_cast %get3A_13 : vector<1x512x128xf32> to vector<512x128xf32>
    %add3A_15 = arith.addf %get3A_9, %get3A_14 : vector<512x128xf32>
    %get3A_16 = arith.constant 0 : index
    %get3A_17 = arith.constant 0 : index
    %get3A_18 = vector.load %arg2[%get3A_16, %get3A_17] : memref<512x128xf32, #tpu.memory_space<vmem>>, vector<512x128xf32>
    %add3A_19 = arith.addf %add3A_15, %get3A_18 : vector<512x128xf32>
    %mul3A = vector.broadcast %reshape3A : vector<512x1xf32> to vector<512x128xf32>
    %mul3A_20 = arith.mulf %mul3A, %add3A_19 : vector<512x128xf32>
    %get3A_21 = arith.constant 0 : index
    %get3A_22 = arith.constant 0 : index
    %get3A_23 = vector.load %arg4[%get3A_21, %get3A_22] : memref<1x128xf32, #tpu.memory_space<vmem>>, vector<1x128xf32>
    %add3A_24 = vector.broadcast %get3A_23 : vector<1x128xf32> to vector<512x128xf32>
    %add3A_25 = arith.addf %mul3A_20, %add3A_24 : vector<512x128xf32>
    %max3A = arith.constant 0.000000e+00 : f32
    %max3A_26 = vector.broadcast %max3A : f32 to vector<512x128xf32>
    %max3A_27 = arith.maximumf %add3A_25, %max3A_26 : vector<512x128xf32>
    %get3A_28 = arith.constant 0 : index
    %get3A_29 = arith.constant 0 : index
    %get3A_30 = vector.load %arg5[%get3A_28, %get3A_29] : memref<128x128xf32, #tpu.memory_space<vmem>>, vector<128x128xf32>
    %dot_general3A = arith.constant dense<0.000000e+00> : vector<512x128xf32>
    %dot_general3A_31 = tpu.matmul %max3A_27, %get3A_30, %dot_general3A {dimension_numbers = #tpu.dot_dimension_numbers<[1], [0], [0], [1], [0, 0, 1, 1], [], []>, transpose_lhs_hint = false} : vector<512x128xf32>, vector<128x128xf32>, vector<512x128xf32> -> vector<512x128xf32>
    %mul3A_32 = vector.broadcast %reshape3A : vector<512x1xf32> to vector<512x128xf32>
    %mul3A_33 = arith.mulf %dot_general3A_31, %mul3A_32 : vector<512x128xf32>
    %swap3A = arith.constant 0 : index
    %swap3A_34 = arith.constant 0 : index
    %swap3A_35 = vector.load %arg6[%swap3A, %swap3A_34] : memref<512x128xf32, #tpu.memory_space<vmem>>, vector<512x128xf32>
    tpu.vector_store %arg6[%swap3A, %swap3A_34], %mul3A_33 {strides = array<i32>} : memref<512x128xf32, #tpu.memory_space<vmem>>, vector<512x128xf32>,
    return
  }
  func.func @transform_0(%arg0: i32) -> (i32, i32, i32) {
    %c0_i32 = arith.constant 0 : i32
    %c0_i32_0 = arith.constant 0 : i32
    %c0_i32_1 = arith.constant 0 : i32
    return %c0_i32, %arg0, %c0_i32_0 : i32, i32, i32
  }
  func.func @transform_1(%arg0: i32) -> (i32, i32) {
    %c0_i32 = arith.constant 0 : i32
    %c0_i32_0 = arith.constant 0 : i32
    return %arg0, %c0_i32 : i32, i32
  }
  func.func @transform_2(%arg0: i32) -> (i32, i32) {
    %c0_i32 = arith.constant 0 : i32
    %c0_i32_0 = arith.constant 0 : i32
    return %c0_i32, %arg0 : i32, i32
  }
  func.func @transform_3(%arg0: i32) -> (i32, i32) {
    %c0_i32 = arith.constant 0 : i32
    %c0_i32_0 = arith.constant 0 : i32
    %c0_i32_1 = arith.constant 0 : i32
    return %c0_i32, %c0_i32_0 : i32, i32
  }
  func.func @transform_4(%arg0: i32) -> (i32, i32) {
    %c0_i32 = arith.constant 0 : i32
    %c0_i32_0 = arith.constant 0 : i32
    %c0_i32_1 = arith.constant 0 : i32
    return %c0_i32, %c0_i32_0 : i32, i32
  }
  func.func @transform_5(%arg0: i32) -> (i32, i32) {
    %c0_i32 = arith.constant 0 : i32
    %c0_i32_0 = arith.constant 0 : i32
    return %arg0, %c0_i32 : i32, i32
  }
}

module attributes {stable_mosaic.version = 14 : i64} {
  func.func @_tc1_body(%arg0: i32, %arg1: memref<512x128xf32, #tpu.memory_space<vmem>>, %arg2: memref<128x128xf32, #tpu.memory_space<vmem>>, %arg3: memref<32x512xf32, #tpu.memory_space<vmem>>, %arg4: memref<512x128xf32, #tpu.memory_space<vmem>>) attributes {dimension_semantics = [#tpu.dimension_semantics<arbitrary>], iteration_bounds = array<i64: 20>, scalar_prefetch = 0 : i64, scratch_operands = 0 : i64, tpu.core_type = #tpu.core_type<tc>, window_params = [{transform_indices = @transform_0, window_bounds = array<i64: 512, 128>}, {pipeline_mode = #tpu.pipeline_mode<synchronous>, transform_indices = @transform_1, window_bounds = array<i64: 128, 128>}, {transform_indices = @transform_2, window_bounds = array<i64: 32, 512>}, {transform_indices = @transform_3, window_bounds = array<i64: 512, 128>}]} {
    %get3A = arith.constant 0 : index
    %get3A_0 = arith.constant 0 : index
    %get3A_1 = vector.load %arg3[%get3A, %get3A_0] : memref<32x512xf32, #tpu.memory_space<vmem>>, vector<32x512xf32>
    %reduce_sum3A = arith.constant dense<0.000000e+00> : vector<512xf32>
    %reduce_sum3A_2 = vector.multi_reduction <add>, %get3A_1, %reduce_sum3A [0] : vector<32x512xf32> to vector<512xf32>
    %add3A = arith.constant 1.000000e+00 : f32
    %add3A_3 = vector.broadcast %add3A : f32 to vector<512xf32>
    %add3A_4 = arith.addf %reduce_sum3A_2, %add3A_3 : vector<512xf32>
    %rsqrt3A = math.rsqrt %add3A_4 : vector<512xf32>
    %reshape3A = vector.shape_cast %rsqrt3A : vector<512xf32> to vector<512x1xf32>
    %get3A_5 = arith.constant 0 : index
    %get3A_6 = arith.constant 0 : index
    %get3A_7 = vector.load %arg1[%get3A_5, %get3A_6] : memref<512x128xf32, #tpu.memory_space<vmem>>, vector<512x128xf32>
    %get3A_8 = arith.constant 0 : index
    %get3A_9 = arith.constant 0 : index
    %get3A_10 = vector.load %arg2[%get3A_8, %get3A_9] : memref<128x128xf32, #tpu.memory_space<vmem>>, vector<128x128xf32>
    %dot_general3A = arith.constant dense<0.000000e+00> : vector<512x128xf32>
    %dot_general3A_11 = tpu.matmul %get3A_7, %get3A_10, %dot_general3A {dimension_numbers = #tpu.dot_dimension_numbers<[1], [0], [0], [1], [0, 0, 1, 1], [], []>, transpose_lhs_hint = false} : vector<512x128xf32>, vector<128x128xf32>, vector<512x128xf32> -> vector<512x128xf32>
    %mul3A = vector.broadcast %reshape3A : vector<512x1xf32> to vector<512x128xf32>
    %mul3A_12 = arith.mulf %dot_general3A_11, %mul3A : vector<512x128xf32>
    %swap3A = arith.constant 0 : index
    %swap3A_13 = arith.constant 0 : index
    %swap3A_14 = vector.load %arg4[%swap3A, %swap3A_13] : memref<512x128xf32, #tpu.memory_space<vmem>>, vector<512x128xf32>
    tpu.vector_store %arg4[%swap3A, %swap3A_13], %mul3A_12 {strides = array<i32>} : memref<512x128xf32, #tpu.memory_space<vmem>>, vector<512x128xf32>,
    return
  }
  func.func @transform_0(%arg0: i32) -> (i32, i32) {
    %c0_i32 = arith.constant 0 : i32
    %c0_i32_0 = arith.constant 0 : i32
    return %arg0, %c0_i32 : i32, i32
  }
  func.func @transform_1(%arg0: i32) -> (i32, i32) {
    %c0_i32 = arith.constant 0 : i32
    %c0_i32_0 = arith.constant 0 : i32
    %c0_i32_1 = arith.constant 0 : i32
    return %c0_i32, %c0_i32_0 : i32, i32
  }
  func.func @transform_2(%arg0: i32) -> (i32, i32) {
    %c0_i32 = arith.constant 0 : i32
    %c0_i32_0 = arith.constant 0 : i32
    return %c0_i32, %arg0 : i32, i32
  }
  func.func @transform_3(%arg0: i32) -> (i32, i32) {
    %c0_i32 = arith.constant 0 : i32
    %c0_i32_0 = arith.constant 0 : i32
    return %arg0, %c0_i32 : i32, i32
  }
}

</mosaic_0001>

<sc_bundles>
// kernel: _run.11.cloned.1.call-start
scs
__scs_entry_jumppad:
0x0: {  	(pc) =	sbr.rel $0x88, $3  }
0x1: {  	(tag) =	ssettag $0x0;
	lr =	simm.s32 $0x1  }
0x2: {  	[smem:$0x3F9A] =	sst lr;
	_ =	strace $0xD0000000  }
0x3: {  	_ = 	snop  }
0x4: {  	_ = 	snop  }
0x5: {  	_ = 	snop  }
0x6: {  	_ = 	snop  }
0x7: {  	_ = 	snop  }
__scs_overlays_trampoline_lowered:
0x8: {  	[smem:$0x3FA9] =	sst s0  }
0x9: {  	[smem:$0x3FAA] =	sst s1  }
0xa: {  	[smem:$0x3FAB] =	sst s2  }
0xb: {  	[smem:$0x3FAC] =	sst s3  }
0xc: {  	[smem:$0x3FAD] =	sst s4  }
0xd: {  	[smem:$0x3FAE] =	sst s5  }
0xe: {  	[smem:$0x3FAF] =	sst s6  }
0xf: {  	[smem:$0x3FB0] =	sst s7  }
0x10: {  	[smem:$0x3FB1] =	sst s8  }
0x11: {  	[smem:$0x3FB2] =	sst s9;
	s0 =	simm.s32 @!p0 $0x0  }
0x12: {  	s1 =	sld [smem:$0x3F98];
	s0 =	simm.s32 @p0 $0x1  }
0x13: {  	[smem:$0x3FB3] =	sst s0;
	s0 =	simm.s32 @!p1 $0x0  }
0x14: {  	s2 =	sld [smem:$0x3F97];
	s0 =	simm.s32 @p1 $0x1  }
0x15: {  	[smem:$0x3FB4] =	sst s0;
	s0 =	simm.s32 @!p2 $0x0  }
0x16: {  	s3 =	sld [smem:$0x3FDB];
	s0 =	simm.s32 @p2 $0x1  }
0x17: {  	s4 =	simm.s32 $0x1BF5;
	[smem:$0x3FB6] =	sst s0  }
0x18: {  	s0 =	sld [smem:$0x3F99];
	_ =	swait.ge [sflag:s4], $0x0  }
0x19: {  	s7 =	sld [smem:$0x3F9A]  }
0x1a: {  	s8 =	sadd.s32 $0xFFFFE003, lr  }
0x1b: {  	s9 =	sadd.s32 $0xFFFFFEF7, lr;
	s5 =	simm.s32 $0xFFFFFFFF;
	p2 =	slt.u32 s8, $0xFFFFF086  }
0x1c: {  	p1 =	slt.u32 s9, $0xF7A;
	s5 =	simm.s32 @!p2 $0x0  }
0x1d: {  	s5 =	simm.s32 @p1 $0x1;
	p0 =	seq.s32 s7, s2  }
0x1e: {  	s7 =	smul.u32 @!p0 $0xF7A, s2;
	p2 =	seq.s32 @!p0 s5, $0x0  }
0x1f: {  	s9 =	smul.u32 $0xF7A, s1;
	s8 =	simm.s32 @!p0 $0x1BF5;
	p2 =	por !p2, p0  }
0x20: {  	[sflag:s8] =	ssyncset.s32 @!p0 $0xFFFFF086;
	s6 =	sadd.s32 @!p0 s3, s7;
	s7 =	simm.s32 @!p0 $0x108  }
0x21: {  	s3 =	sadd.s32 s3, s9;
	s6 =	sadd.s32 @!p0 $0x88, s6;
	s7 =	simm.s32 @p2 $0x1082  }
0x22: {  	[simem:s7], [sflag:s8] =	dma.local @!p0 [hbm:s6], $0xF7A  }
0x23: {  	s9 =	sor.u32 $0xD0000000, s2;
	s6 =	simm.s32 $0x108;
	_ =	swait.ge @!p0 [sflag:s8], $0x0  }
0x24: {  	s3 =	sadd.s32 $0x88, s3;
	s6 =	simm.s32 @!p1 $0x1082;
	[sflag:s4] =	ssyncset.s32 $0xFFFFF086  }
0x25: {  	[simem:s6], [sflag:s4] =	dma.local [hbm:s3], $0xF7A  }
0x26: {  	[smem:$0x3F9A] =	sst s1;
	(tag) =	ssettag s2;
	_ =	strace s9  }
0x27: {  	s1 =	sld [smem:$0x3FAA]  }
0x28: {  	s2 =	sld [smem:$0x3FAB]  }
0x29: {  	s4 =	sld [smem:$0x3FAD]  }
0x2a: {  	p0 =	seq.s32 s5, $0x0;
	s5 =	sld [smem:$0x3FAE]  }
0x2b: {  	s6 =	sld [smem:$0x3FAF]  }
0x2c: {  	s7 =	sld [smem:$0x3FB0]  }
0x2d: {  	s3 =	simm.s32 $0x108;
	s8 =	sld [smem:$0x3FB1]  }
0x2e: {  	s3 =	simm.s32 @!p0 $0x1082;
	s9 =	sld [smem:$0x3FB2]  }
0x2f: {  	lr =	sadd.s32 s0, s3;
	s0 =	sld [smem:$0x3FA9]  }
0x30: {  	s3 =	sld [smem:$0x3FAC]  }
0x31: {  	[smem:$0x3FB5] =	sst s10  }
0x32: {  	s10 =	sld [smem:$0x3FB3];
	_ =	sdelay $0x3  }
0x33: {  	p0 =	seq.s32 s10, $0x1;
	s10 =	sld [smem:$0x3FB5];
	_ =	sdelay $0x3  }
0x34: {  	[smem:$0x3FB5] =	sst s10  }
0x35: {  	s10 =	sld [smem:$0x3FB4];
	_ =	sdelay $0x3  }
0x36: {  	p1 =	seq.s32 s10, $0x1;
	s10 =	sld [smem:$0x3FB5];
	_ =	sdelay $0x3  }
0x37: {  	[smem:$0x3FB5] =	sst s10  }
0x38: {  	s10 =	sld [smem:$0x3FB6]  }
0x39: {  	_ = 	snop;
	(pc) =	sbr.ind lr, $3  }
0x3a: {  	_ = 	snop  }
0x3b: {  	_ = 	snop  }
0x3c: {  	p2 =	seq.s32 s10, $0x1;
	s10 =	sld [smem:$0x3FB5]  }
0x3d: {  	_ =	shalt  }
0x3e: {  	_ =	shalt  }
0x3f: {  	_ =	shalt  }
0x40: {  	_ =	shalt  }
0x41: {  	_ =	shalt  }
0x42: {  	_ =	shalt  }
0x43: {  	_ =	shalt  }
0x44: {  	_ =	shalt  }
0x45: {  	_ =	shalt  }
0x46: {  	_ =	shalt  }
0x47: {  	_ =	shalt  }
0x48: {  	_ =	shalt  }
0x49: {  	_ =	shalt  }
0x4a: {  	_ =	shalt  }
0x4b: {  	_ =	shalt  }
0x4c: {  	_ =	shalt  }
0x4d: {  	_ =	shalt  }
0x4e: {  	_ =	shalt  }
0x4f: {  	_ =	shalt  }
0x50: {  	_ =	shalt  }
0x51: {  	_ =	shalt  }
0x52: {  	_ =	shalt  }
0x53: {  	_ =	shalt  }
0x54: {  	_ =	shalt  }
0x55: {  	_ =	shalt  }
0x56: {  	_ =	shalt  }
0x57: {  	_ =	shalt  }
0x58: {  	_ =	shalt  }
0x59: {  	_ =	shalt  }
0x5a: {  	_ =	shalt  }
0x5b: {  	_ =	shalt  }
0x5c: {  	_ =	shalt  }
0x5d: {  	_ =	shalt  }
0x5e: {  	_ =	shalt  }
0x5f: {  	_ =	shalt  }
0x60: {  	_ =	shalt  }
0x61: {  	_ =	shalt  }
0x62: {  	_ =	shalt  }
0x63: {  	_ =	shalt  }
0x64: {  	_ =	shalt  }
0x65: {  	_ =	shalt  }
0x66: {  	_ =	shalt  }
0x67: {  	_ =	shalt  }
0x68: {  	_ =	shalt  }
0x69: {  	_ =	shalt  }
0x6a: {  	_ =	shalt  }
0x6b: {  	_ =	shalt  }
0x6c: {  	_ =	shalt  }
0x6d: {  	_ =	shalt  }
0x6e: {  	_ =	shalt  }
0x6f: {  	_ =	shalt  }
0x70: {  	_ =	shalt  }
0x71: {  	_ =	shalt  }
0x72: {  	_ =	shalt  }
0x73: {  	_ =	shalt  }
0x74: {  	_ =	shalt  }
0x75: {  	_ =	shalt  }
0x76: {  	_ =	shalt  }
0x77: {  	_ =	shalt  }
0x78: {  	_ =	shalt  }
0x79: {  	_ =	shalt  }
0x7a: {  	_ =	shalt  }
0x7b: {  	_ =	shalt  }
0x7c: {  	_ =	shalt  }
0x7d: {  	_ =	shalt  }
0x7e: {  	_ =	shalt  }
0x7f: {  	_ =	shalt  }
0x80: {  	_ =	shalt  }
0x81: {  	_ =	shalt  }
0x82: {  	_ =	shalt  }
0x83: {  	_ =	shalt  }
0x84: {  	_ =	shalt  }
0x85: {  	_ =	shalt  }
0x86: {  	_ =	shalt  }
0x87: {  	_ =	shalt  }
.Lfunc_end0:
.L_simem_size_0:
called_computation.1_lowered:
.L_overlay_start_0:
0x88: {  	s2 =	sld [smem:$0x3FD9]  }
0x89: {  	s3 =	sld [smem:$0x3FFE];
	_ =	sdelay $0x1  }
0x8a: {  	s1 =	srdreg.scid  }
0x8b: {  	s0 =	sand.u32 $0x1, s1  }
0x8c: {  	s17 =	sshll.u32 s0, $0xA;
	s2 =	sadd.s32 s3, s2  }
0x8d: {  	s2 =	sadd.s32 s2, s17  }
0x8e: {  	[smem:$0x3FC1] =	sst s2  }
0x8f: {  	_ = 	snop  }
0x90: {  	s2 =	sld [smem:$0x3FC8]  }
0x91: {  	s18 =	sld [smem:$0x3FD0];
	(tm) =	ssettm $0x1  }
0x92: {  	s4 =	sld [smem:$0x3FFB];
	_ =	sdelay $0x3  }
0x93: {  	_ =	strace s4  }
0x94: {  	s4 =	sld [smem:$0x3FFC];
	_ =	sdelay $0x3  }
0x95: {  	_ =	strace s4  }
0x96: {  	s4 =	sld [smem:$0x3FFD];
	_ =	sdelay $0x3  }
0x97: {  	_ =	strace s4  }
0x98: {  	_ =	strace $0x8FFFFFFF  }
0x99: {  	s19 =	sld [smem:$0x3FDB];
	_ =	sdelay $0x1  }
0x9a: {  	s5 =	simm.s32 $_scs_section_size  }
0x9b: {  	s6 =	simm.s32 $_size__tile_overlayer_lowered;
	s7 =	simm.s32 $_tile_overlayer_lowered  }
0x9c: {  	s22 =	simm.s32 $0x1BFF;
	s21 =	sshll.u32 s7, $0x1;
	s4 =	sadd.s32 s5, s19  }
0x9d: {  	s8 =	simm.s32 $0x0;
	s20 =	sshll.u32 s6, $0x1;
	s6 =	sadd.s32 s21, s4  }
0x9e: {  	[timem:s8], [sflag:s22] =	dma.local [hbm:s6], s20  }
0x9f: {  	_ =	swait.ge [sflag:s22], s20  }
0xa0: {  	s5 =	ssub.s32 $0x0, s20;
	[sflag:s22] =	ssyncset.done $0x0  }
0xa1: {  	[sflag:s22] =	ssyncadd.s32 s5;
	_ =	sdelay $0x1  }
0xa2: {  	s23 =	simm.s32 $0x1B8B  }
0xa3: {  	_ =	swait.ge [sflag:s23], $0x1  }
0xa4: {  	[sflag:s23] =	ssyncset.done $0x0  }
0xa5: {  	s25 =	simm.s32 $0x1B8E;
	s24 =	sld [smem:$0x3FFE];
	[sflag:s23] =	ssyncadd.s32 $0xFFFFFFFF  }
0xa6: {  	s26 =	simm.s32 $execute0_lowered;
	[smem:$0x3FD2] =	sst s25  }
0xa7: {  	s6 =	sshll.u32 s26, $0x1;
	_ =	strace $0x80000049;
	[dreg:$0x1] =	wrdreg $0xFFFFFFFF  }
0xa8: {  	s28 =	simm.s32 $_size_execute0_lowered;
	s4 =	sadd.s32 s4, s6;
	[dreg:$0x0] =	wrdreg $0x0  }
0xa9: {  	s6 =	sshll.u32 s28, $0x1;
	[dreg:$0x2] =	wrdreg s4  }
0xaa: {  	[dreg:$0x3] =	wrdreg s6  }
0xab: {  	[dreg:$0x4] =	wrdreg $0xC0  }
0xac: {  	_ =	task [dreg:s8], $0x5FFFF  }
0xad: {  	[dreg:$0x1] =	wrdreg $0xFFFFFFFF  }
0xae: {  	[dreg:$0x0] =	wrdreg $0x60  }
0xaf: {  	[dreg:$0x2] =	wrdreg s18  }
0xb0: {  	[dreg:$0x3] =	wrdreg s2  }
0xb1: {  	[dreg:$0x4] =	wrdreg s24  }
0xb2: {  	[dreg:$0x5] =	wrdreg $0x41000  }
0xb3: {  	[dreg:$0x6] =	wrdreg $0x9  }
0xb4: {  	_ =	task.clear_ibuf [dreg:s8], $0x7FFFF;
	_ =	strace $0x90000049  }
0xb5: {  	s29 =	simm.s32 $0x9;
	_ =	strace $0x8000004B  }
0xb6: {  	_ =	swait.ge [sflag:s29], $0x1  }
0xb7: {  	[sflag:s29] =	ssyncadd.s32 $0xFFFFFFFF  }
0xb8: {  	_ =	strace $0x9000004B  }
0xb9: {  	_ =	sfence  }
0xba: {  	s30 =	sld [smem:$0x0];
	_ =	sdelay $0x2  }
0xbb: {  	s31 =	sshll.u32 s1, $0xD;
	s1 =	sshrl.u32 s1, $0x2  }
0xbc: {  	s3 =	sand.u32 $0x4000, s31;
	s1 =	sadd.s32 s1, s30  }
0xbd: {  	s0 =	sor.u32 s3, s0;
	s1 =	sshll.u32 s1, $0x11  }
0xbe: {  	s0 =	sor.u32 s1, s0  }
0xbf: {  	s0 =	sadd.s32 $0x8F2B, s0  }
0xc0: {  	[sflag:s0] =	ssyncadd.remote.s32 $0x1  }
0xc1: {  	_ =	sfence.sel $0xFFFF  }
0xc2: {  	[dreg:$0x0] =	wrdreg $0xFFFFFFFF;
	(pc) =	sbr.abs _section_cstart, $3  }
0xc3: {  	[dreg:$0x1] =	wrdreg $0xFFFFFFFF  }
0xc4: {  	_ =	task.clear_ibuf [dreg:s8], $0x2FFFF;
	_ =	strace $0x9FFFFFFF  }
0xc5: {  	(tm) =	ssettm $0x7FFFFFFF  }
tec
execute0_lowered:
.L_overlay_start_1:
0x0: {  	(tag) =	ssettag $0x1  }
0x1: {  	s0 =	rddreg [dreg:$0x0]  }
0x2: {  	s13 =	rddreg [dreg:$0x1]  }
0x3: {  	s1 =	srdreg.scid;
	s5 =	rddreg [dreg:$0x2]  }
0x4: {  	s3 =	rddreg [dreg:$0x3];
	s9 =	sand.u32 $0x1, s1  }
0x5: {  	s1 =	stileid.u32;
	s6 =	smul.u32 $0x140000, s9  }
0x6: {  	s2 =	rddreg [dreg:$0x4];
	s4 =	simm.s32 $0x0;
	s7 =	smul.u32 $0x14000, s1  }
0x7: {  	s16 =	simm.s32 $0x80;
	s17 =	simm.s32 $0x1;
	s29 =	smul.u32 $0x50000, s1  }
0x8: {  	s20 =	simm.s32 $0x0;
	[smem:$0x7FF] =	sst s4;
	s14 =	smul.u32 $0x67000, s9  }
0x9: {  	_ =	strace $0x8000004A;
	s8 =	ssub.s32 $0x2, s9;
	s15 =	smul.u32 $0x6700, s1  }
0xa: {  	p0 =	seq.s32 s9, $0x0;
	s9 =	simm.s32 $0x67;
	s18 =	sshll.u32 s1, $0x6  }
0xb: {  	s30 =	sshrl.u32 s8, $0x1;
	s9 =	simm.s32 @!p0 $0x36;
	s18 =	sor.u32 $0x1C02, s18  }
0xc: {  	s6 =	sadd.s32 s7, s6;
	s31 =	sshrl.u32 s29, $0x2;
	s12 =	ssub.s32 s8, s30  }
0xd: {  	s14 =	sadd.s32 s15, s14;
	s15 =	simm.s32 $0x2;
	s6 =	sshrl.u32 s6, $0x3  }
0xe: {  	s12 =	smax.u32 s12, $0x1;
	s14 =	sshrl.u32 s14, $0x3;
	s11 =	sadd.s32 s6, s5  }
0xf: {  	s5 =	sadd.s32 s31, s3;
	s13 =	sadd.s32 s14, s13;
	s14 =	simm.s32 $0x100  }
0x10: {  	s6 =	sadd.s32 $0x4000, s5;
	s7 =	sadd.s32 $0x8000, s5;
	s8 =	sadd.s32 $0xC000, s5  }
0x11: {  	v0 =	vimm.f32 $0.0e+00;
	s10 =	sadd.s32 $0x10000, s5;
	s11 =	sadd.s32 $0x2A00, s11;
	s19 =	sshrl.u32 s5, $0x3  }
.LBB2_1:
0x12: {  	s21 =	simm.s32 $0x0;
	s22 =	simm.s32 $0x200  }
.LBB2_2:
0x13: {  	p0 =	sne.s32 s22, $0xFE00;
	[tilespmem:s21+$0x170] =	vst v0  }
0x14: {  	[tilespmem:s21+$0x100] =	vst v0  }
0x15: {  	[tilespmem:s21+$0x110] =	vst v0  }
.Ltmp0:
0x16: {  	[tilespmem:s21+$0x120] =	vst v0;
	(pc) =	sbr.rel @p0 .LBB2_2-.Ltmp0, $4  }
0x17: {  	[tilespmem:s21+$0x130] =	vst v0  }
0x18: {  	[tilespmem:s21+$0x140] =	vst v0  }
0x19: {  	[tilespmem:s21+$0x150] =	vst v0  }
0x1a: {  	[tilespmem:s21+$0x160] =	vst v0;
	s21 =	sshra.s32 s22, $0x2;
	s22 =	sadd.s32 $0x200, s22  }
0x1b: {  	[tilespmem:s21+$0x170] =	vst v0  }
0x1c: {  	[tilespmem:s21+$0x100] =	vst v0  }
0x1d: {  	[tilespmem:s21+$0x110] =	vst v0  }
0x1e: {  	[tilespmem:s21+$0x120] =	vst v0  }
0x1f: {  	[tilespmem:s21+$0x130] =	vst v0  }
0x20: {  	[tilespmem:s21+$0x140] =	vst v0  }
0x21: {  	[tilespmem:s21+$0x150] =	vst v0  }
0x22: {  	[tilespmem:s21+$0x160] =	vst v0  }
0x23: {  	[spmem:s5] =	stream.linear.scatter [tilespmem:s14], [sflag:$0x2], $0x4000, $0x38;
	[tilespmem:$0x18100] =	vst v63  }
0x24: {  	_ =	swait.ge [sflag:s15], $0x4000  }
0x25: {  	[sflag:s15] =	ssyncset.done $0x0  }
0x26: {  	[sflag:s15] =	ssyncadd.s32 $0xFFFFC000  }
0x27: {  	[spmem:s6] =	stream.linear.scatter [tilespmem:s14], [sflag:$0x2], $0x4000, $0x38;
	[tilespmem:$0x18100] =	vst v63  }
0x28: {  	_ =	swait.ge [sflag:s15], $0x4000  }
0x29: {  	[sflag:s15] =	ssyncset.done $0x0  }
0x2a: {  	[sflag:s15] =	ssyncadd.s32 $0xFFFFC000  }
0x2b: {  	[spmem:s7] =	stream.linear.scatter [tilespmem:s14], [sflag:$0x2], $0x4000, $0x38;
	[tilespmem:$0x18100] =	vst v63  }
0x2c: {  	_ =	swait.ge [sflag:s15], $0x4000  }
0x2d: {  	[sflag:s15] =	ssyncset.done $0x0  }
0x2e: {  	[sflag:s15] =	ssyncadd.s32 $0xFFFFC000  }
0x2f: {  	[spmem:s8] =	stream.linear.scatter [tilespmem:s14], [sflag:$0x2], $0x4000, $0x38;
	[tilespmem:$0x18100] =	vst v63  }
0x30: {  	_ =	swait.ge [sflag:s15], $0x4000  }
0x31: {  	[sflag:s15] =	ssyncset.done $0x0  }
0x32: {  	[sflag:s15] =	ssyncadd.s32 $0xFFFFC000  }
0x33: {  	[spmem:s10] =	stream.linear.scatter [tilespmem:s14], [sflag:$0x2], $0x4000, $0x38;
	[tilespmem:$0x18100] =	vst v63  }
0x34: {  	_ =	swait.ge [sflag:s15], $0x4000  }
0x35: {  	[sflag:s15] =	ssyncset.done $0x0  }
0x36: {  	[sflag:s15] =	ssyncadd.s32 $0xFFFFC000  }
0x37: {  	[bflag:$0x0] =	sbarrier.arrive $0xFFFF  }
0x38: {  	[tilespmem:s4], [sflag:$0x2] =	stream.linear.gather [hbm4b:s13+s4], $0x100, $0x38;
	[tilespmem:$0x18100] =	vst v63  }
0x39: {  	_ =	swait.ge [sflag:s15], $0x100  }
0x3a: {  	[sflag:s15] =	ssyncset.done $0x0  }
0x3b: {  	[sflag:s15] =	ssyncadd.s32 $0xFFFFFF00  }
0x3c: {  	[tilespmem:s14], [sflag:$0x1] =	stream.indirect.gather [hbm4b:s0+s16], $0x80, s4, s16, $0xb8;
	[tilespmem:$0x18100] =	vst v63  }
0x3d: {  	p0 =	sne.s32 s9, $0x1;
	_ =	swait.ge [sflag:s17], $0x4000  }
.Ltmp1:
0x3e: {  	[sflag:s17] =	ssyncset.done $0x0;
	(pc) =	sbr.rel @!p0 .LBB2_5-.Ltmp1, $4  }
0x3f: {  	[sflag:s17] =	ssyncadd.s32 $0xFFFFC000  }
0x40: {  	[spmem:s3] =	stream.indirect.scatter.add.f32 [tilespmem:s14], [sflag:$0x2], $0x80, s16, s16, $0xb8;
	[tilespmem:$0x18100] =	vst v63  }
0x41: {  	_ =	swait.ge [sflag:s15], $0x4000  }
0x42: {  	s21 =	sadd.s32 $0xFFFFFFFF, s9;
	s22 =	smov.u32 s13;
	[sflag:s15] =	ssyncset.done $0x0  }
.LBB2_4:
0x43: {  	p0 =	sne.s32 s21, $0x1;
	[sflag:s15] =	ssyncadd.s32 $0xFFFFC000;
	s22 =	sadd.s32 $0x20, s22  }
0x44: {  	[tilespmem:s4], [sflag:$0x2] =	stream.linear.gather [hbm4b:s22+s4], $0x100, $0x38;
	[tilespmem:$0x18100] =	vst v63  }
0x45: {  	s21 =	sadd.s32 $0xFFFFFFFF, s21;
	_ =	swait.ge [sflag:s15], $0x100  }
0x46: {  	[sflag:s15] =	ssyncset.done $0x0  }
0x47: {  	[sflag:s15] =	ssyncadd.s32 $0xFFFFFF00  }
0x48: {  	[tilespmem:s14], [sflag:$0x1] =	stream.indirect.gather [hbm4b:s0+s16], $0x80, s4, s16, $0xb8;
	[tilespmem:$0x18100] =	vst v63  }
0x49: {  	_ =	swait.ge [sflag:s17], $0x4000  }
.Ltmp2:
0x4a: {  	[sflag:s17] =	ssyncset.done $0x0;
	(pc) =	sbr.rel @p0 .LBB2_4-.Ltmp2, $4  }
0x4b: {  	[sflag:s17] =	ssyncadd.s32 $0xFFFFC000  }
0x4c: {  	[spmem:s3] =	stream.indirect.scatter.add.f32 [tilespmem:s14], [sflag:$0x2], $0x80, s16, s16, $0xb8;
	[tilespmem:$0x18100] =	vst v63  }
0x4d: {  	_ =	swait.ge [sflag:s15], $0x4000  }
0x4e: {  	[sflag:s15] =	ssyncset.done $0x0  }
.LBB2_5:
0x4f: {  	s20 =	sadd.s32 $0x1, s20  }
0x50: {  	[sflag:s15] =	ssyncadd.s32 $0xFFFFC000;
	p0 =	sne.s32 s20, s12  }
.Ltmp3:
0x51: {  	[bflag:$0x0] =	sbarrier.arrive $0xFFFF;
	(pc) =	sbr.rel @p0 .LBB2_1-.Ltmp3, $4  }
0x52: {  	[hbm:s11], [sflag:s18] =	dma.local [spmem:s19], $0x2800  }
0x53: {  	_ =	swait.ge [sflag:s15], $0x2800  }
0x54: {  	[sflag:s15] =	ssyncset.done $0x0  }
0x55: {  	[sflag:s15] =	ssyncadd.s32 $0xFFFFD800  }
0x56: {  	_ =	sfence.sel $0x180000  }
0x57: {  	[bflag:$0x0] =	sbarrier.arrive $0xFFFF  }
0x58: {  	p0 =	sne.s32 s1, $0x0;
	_ =	strace $0x9000004A  }
0x59: {  	s0 =	sadd.s32 @!p0 $0x100000, s2;
	[bflag:$0x2] =	sbarrier.arrive $0xFFFF  }
0x5a: {  	[sflag:s0] =	ssyncadd.tile.s32 @!p0 $0x1;
	_ =	shalt  }
.Lfunc_end2:
_tile_overlayer_lowered:
.L_overlay_start_2:
0x5b: {  	(tag) =	ssettag $0x2  }
0x5c: {  	s0 =	rddreg [dreg:$0x0];
	s2 =	stileid.u32  }
0x5d: {  	s1 =	rddreg [dreg:$0x1];
	p0 =	sne.s32 s2, $0x0  }
0x5e: {  	s3 =	rddreg [dreg:$0x2];
	[bflag:$0x3] =	sbarrier.arrive $0xFFFF;
	s2 =	simm.s32 @!p0 $0x1C02  }
0x5f: {  	[timem:s3], [sflag:s2] =	dma.local @!p0 [hbm:s0], s1  }
0x60: {  	s0 =	simm.s32 @!p0 $0x2  }
0x61: {  	_ =	swait.ge @!p0 [sflag:s0], s1  }
0x62: {  	s1 =	ssub.s32 @!p0 $0x0, s1;
	[sflag:s0] =	ssyncset.done @!p0 $0x0  }
0x63: {  	[sflag:s0] =	ssyncadd.s32 @!p0 s1  }
0x64: {  	[bflag:$0x3] =	sbarrier.arrive $0xFFFF  }
0x65: {  	_ =	shalt  }

// kernel: _run.14.cloned.1.call-start
scs
__scs_entry_jumppad:
0x0: {  	(pc) =	sbr.rel $0x88, $3  }
0x1: {  	(tag) =	ssettag $0x0;
	lr =	simm.s32 $0x1  }
0x2: {  	[smem:$0x3F9A] =	sst lr;
	_ =	strace $0xD0000000  }
0x3: {  	_ = 	snop  }
0x4: {  	_ = 	snop  }
0x5: {  	_ = 	snop  }
0x6: {  	_ = 	snop  }
0x7: {  	_ = 	snop  }
__scs_overlays_trampoline_lowered:
0x8: {  	[smem:$0x3FA9] =	sst s0  }
0x9: {  	[smem:$0x3FAA] =	sst s1  }
0xa: {  	[smem:$0x3FAB] =	sst s2  }
0xb: {  	[smem:$0x3FAC] =	sst s3  }
0xc: {  	[smem:$0x3FAD] =	sst s4  }
0xd: {  	[smem:$0x3FAE] =	sst s5  }
0xe: {  	[smem:$0x3FAF] =	sst s6  }
0xf: {  	[smem:$0x3FB0] =	sst s7  }
0x10: {  	[smem:$0x3FB1] =	sst s8  }
0x11: {  	[smem:$0x3FB2] =	sst s9;
	s0 =	simm.s32 @!p0 $0x0  }
0x12: {  	s1 =	sld [smem:$0x3F98];
	s0 =	simm.s32 @p0 $0x1  }
0x13: {  	[smem:$0x3FB3] =	sst s0;
	s0 =	simm.s32 @!p1 $0x0  }
0x14: {  	s2 =	sld [smem:$0x3F97];
	s0 =	simm.s32 @p1 $0x1  }
0x15: {  	[smem:$0x3FB4] =	sst s0;
	s0 =	simm.s32 @!p2 $0x0  }
0x16: {  	s3 =	sld [smem:$0x3FDB];
	s0 =	simm.s32 @p2 $0x1  }
0x17: {  	s4 =	simm.s32 $0x1BF5;
	[smem:$0x3FB6] =	sst s0  }
0x18: {  	s0 =	sld [smem:$0x3F99];
	_ =	swait.ge [sflag:s4], $0x0  }
0x19: {  	s7 =	sld [smem:$0x3F9A]  }
0x1a: {  	s8 =	sadd.s32 $0xFFFFE003, lr  }
0x1b: {  	s9 =	sadd.s32 $0xFFFFFEF7, lr;
	s5 =	simm.s32 $0xFFFFFFFF;
	p2 =	slt.u32 s8, $0xFFFFF086  }
0x1c: {  	p1 =	slt.u32 s9, $0xF7A;
	s5 =	simm.s32 @!p2 $0x0  }
0x1d: {  	s5 =	simm.s32 @p1 $0x1;
	p0 =	seq.s32 s7, s2  }
0x1e: {  	s7 =	smul.u32 @!p0 $0xF7A, s2;
	p2 =	seq.s32 @!p0 s5, $0x0  }
0x1f: {  	s9 =	smul.u32 $0xF7A, s1;
	s8 =	simm.s32 @!p0 $0x1BF5;
	p2 =	por !p2, p0  }
0x20: {  	[sflag:s8] =	ssyncset.s32 @!p0 $0xFFFFF086;
	s6 =	sadd.s32 @!p0 s3, s7;
	s7 =	simm.s32 @!p0 $0x108  }
0x21: {  	s3 =	sadd.s32 s3, s9;
	s6 =	sadd.s32 @!p0 $0x88, s6;
	s7 =	simm.s32 @p2 $0x1082  }
0x22: {  	[simem:s7], [sflag:s8] =	dma.local @!p0 [hbm:s6], $0xF7A  }
0x23: {  	s9 =	sor.u32 $0xD0000000, s2;
	s6 =	simm.s32 $0x108;
	_ =	swait.ge @!p0 [sflag:s8], $0x0  }
0x24: {  	s3 =	sadd.s32 $0x88, s3;
	s6 =	simm.s32 @!p1 $0x1082;
	[sflag:s4] =	ssyncset.s32 $0xFFFFF086  }
0x25: {  	[simem:s6], [sflag:s4] =	dma.local [hbm:s3], $0xF7A  }
0x26: {  	[smem:$0x3F9A] =	sst s1;
	(tag) =	ssettag s2;
	_ =	strace s9  }
0x27: {  	s1 =	sld [smem:$0x3FAA]  }
0x28: {  	s2 =	sld [smem:$0x3FAB]  }
0x29: {  	s4 =	sld [smem:$0x3FAD]  }
0x2a: {  	p0 =	seq.s32 s5, $0x0;
	s5 =	sld [smem:$0x3FAE]  }
0x2b: {  	s6 =	sld [smem:$0x3FAF]  }
0x2c: {  	s7 =	sld [smem:$0x3FB0]  }
0x2d: {  	s3 =	simm.s32 $0x108;
	s8 =	sld [smem:$0x3FB1]  }
0x2e: {  	s3 =	simm.s32 @!p0 $0x1082;
	s9 =	sld [smem:$0x3FB2]  }
0x2f: {  	lr =	sadd.s32 s0, s3;
	s0 =	sld [smem:$0x3FA9]  }
0x30: {  	s3 =	sld [smem:$0x3FAC]  }
0x31: {  	[smem:$0x3FB5] =	sst s10  }
0x32: {  	s10 =	sld [smem:$0x3FB3];
	_ =	sdelay $0x3  }
0x33: {  	p0 =	seq.s32 s10, $0x1;
	s10 =	sld [smem:$0x3FB5];
	_ =	sdelay $0x3  }
0x34: {  	[smem:$0x3FB5] =	sst s10  }
0x35: {  	s10 =	sld [smem:$0x3FB4];
	_ =	sdelay $0x3  }
0x36: {  	p1 =	seq.s32 s10, $0x1;
	s10 =	sld [smem:$0x3FB5];
	_ =	sdelay $0x3  }
0x37: {  	[smem:$0x3FB5] =	sst s10  }
0x38: {  	s10 =	sld [smem:$0x3FB6]  }
0x39: {  	_ = 	snop;
	(pc) =	sbr.ind lr, $3  }
0x3a: {  	_ = 	snop  }
0x3b: {  	_ = 	snop  }
0x3c: {  	p2 =	seq.s32 s10, $0x1;
	s10 =	sld [smem:$0x3FB5]  }
0x3d: {  	_ =	shalt  }
0x3e: {  	_ =	shalt  }
0x3f: {  	_ =	shalt  }
0x40: {  	_ =	shalt  }
0x41: {  	_ =	shalt  }
0x42: {  	_ =	shalt  }
0x43: {  	_ =	shalt  }
0x44: {  	_ =	shalt  }
0x45: {  	_ =	shalt  }
0x46: {  	_ =	shalt  }
0x47: {  	_ =	shalt  }
0x48: {  	_ =	shalt  }
0x49: {  	_ =	shalt  }
0x4a: {  	_ =	shalt  }
0x4b: {  	_ =	shalt  }
0x4c: {  	_ =	shalt  }
0x4d: {  	_ =	shalt  }
0x4e: {  	_ =	shalt  }
0x4f: {  	_ =	shalt  }
0x50: {  	_ =	shalt  }
0x51: {  	_ =	shalt  }
0x52: {  	_ =	shalt  }
0x53: {  	_ =	shalt  }
0x54: {  	_ =	shalt  }
0x55: {  	_ =	shalt  }
0x56: {  	_ =	shalt  }
0x57: {  	_ =	shalt  }
0x58: {  	_ =	shalt  }
0x59: {  	_ =	shalt  }
0x5a: {  	_ =	shalt  }
0x5b: {  	_ =	shalt  }
0x5c: {  	_ =	shalt  }
0x5d: {  	_ =	shalt  }
0x5e: {  	_ =	shalt  }
0x5f: {  	_ =	shalt  }
0x60: {  	_ =	shalt  }
0x61: {  	_ =	shalt  }
0x62: {  	_ =	shalt  }
0x63: {  	_ =	shalt  }
0x64: {  	_ =	shalt  }
0x65: {  	_ =	shalt  }
0x66: {  	_ =	shalt  }
0x67: {  	_ =	shalt  }
0x68: {  	_ =	shalt  }
0x69: {  	_ =	shalt  }
0x6a: {  	_ =	shalt  }
0x6b: {  	_ =	shalt  }
0x6c: {  	_ =	shalt  }
0x6d: {  	_ =	shalt  }
0x6e: {  	_ =	shalt  }
0x6f: {  	_ =	shalt  }
0x70: {  	_ =	shalt  }
0x71: {  	_ =	shalt  }
0x72: {  	_ =	shalt  }
0x73: {  	_ =	shalt  }
0x74: {  	_ =	shalt  }
0x75: {  	_ =	shalt  }
0x76: {  	_ =	shalt  }
0x77: {  	_ =	shalt  }
0x78: {  	_ =	shalt  }
0x79: {  	_ =	shalt  }
0x7a: {  	_ =	shalt  }
0x7b: {  	_ =	shalt  }
0x7c: {  	_ =	shalt  }
0x7d: {  	_ =	shalt  }
0x7e: {  	_ =	shalt  }
0x7f: {  	_ =	shalt  }
0x80: {  	_ =	shalt  }
0x81: {  	_ =	shalt  }
0x82: {  	_ =	shalt  }
0x83: {  	_ =	shalt  }
0x84: {  	_ =	shalt  }
0x85: {  	_ =	shalt  }
0x86: {  	_ =	shalt  }
0x87: {  	_ =	shalt  }
.Lfunc_end0:
.L_simem_size_0:
called_computation.2_lowered:
.L_overlay_start_0:
0x88: {  	s2 =	sld [smem:$0x3FD9]  }
0x89: {  	s3 =	sld [smem:$0x3FFE];
	_ =	sdelay $0x1  }
0x8a: {  	s1 =	srdreg.scid  }
0x8b: {  	s0 =	sand.u32 $0x1, s1  }
0x8c: {  	s17 =	sshll.u32 s0, $0xA;
	s2 =	sadd.s32 s3, s2  }
0x8d: {  	s2 =	sadd.s32 s2, s17  }
0x8e: {  	[smem:$0x3FC1] =	sst s2  }
0x8f: {  	_ = 	snop  }
0x90: {  	s2 =	sld [smem:$0x3FC8]  }
0x91: {  	s18 =	sld [smem:$0x3FD0];
	(tm) =	ssettm $0x1  }
0x92: {  	s4 =	sld [smem:$0x3FFB];
	_ =	sdelay $0x3  }
0x93: {  	_ =	strace s4  }
0x94: {  	s4 =	sld [smem:$0x3FFC];
	_ =	sdelay $0x3  }
0x95: {  	_ =	strace s4  }
0x96: {  	s4 =	sld [smem:$0x3FFD];
	_ =	sdelay $0x3  }
0x97: {  	_ =	strace s4  }
0x98: {  	_ =	strace $0x8FFFFFFF  }
0x99: {  	s19 =	sld [smem:$0x3FDB];
	_ =	sdelay $0x1  }
0x9a: {  	s5 =	simm.s32 $_scs_section_size  }
0x9b: {  	s6 =	simm.s32 $_size__tile_overlayer_lowered;
	s7 =	simm.s32 $_tile_overlayer_lowered  }
0x9c: {  	s22 =	simm.s32 $0x1BFF;
	s21 =	sshll.u32 s7, $0x1;
	s4 =	sadd.s32 s5, s19  }
0x9d: {  	s8 =	simm.s32 $0x0;
	s20 =	sshll.u32 s6, $0x1;
	s6 =	sadd.s32 s21, s4  }
0x9e: {  	[timem:s8], [sflag:s22] =	dma.local [hbm:s6], s20  }
0x9f: {  	_ =	swait.ge [sflag:s22], s20  }
0xa0: {  	s5 =	ssub.s32 $0x0, s20;
	[sflag:s22] =	ssyncset.done $0x0  }
0xa1: {  	[sflag:s22] =	ssyncadd.s32 s5;
	_ =	sdelay $0x1  }
0xa2: {  	s23 =	simm.s32 $0x1B8B  }
0xa3: {  	_ =	swait.ge [sflag:s23], $0x1  }
0xa4: {  	[sflag:s23] =	ssyncset.done $0x0  }
0xa5: {  	s25 =	simm.s32 $0x1B8E;
	s24 =	sld [smem:$0x3FFE];
	[sflag:s23] =	ssyncadd.s32 $0xFFFFFFFF  }
0xa6: {  	s26 =	simm.s32 $execute0_lowered;
	[smem:$0x3FD2] =	sst s25  }
0xa7: {  	s6 =	sshll.u32 s26, $0x1;
	_ =	strace $0x8000004C;
	[dreg:$0x1] =	wrdreg $0xFFFFFFFF  }
0xa8: {  	s28 =	simm.s32 $_size_execute0_lowered;
	s4 =	sadd.s32 s4, s6;
	[dreg:$0x0] =	wrdreg $0x0  }
0xa9: {  	s6 =	sshll.u32 s28, $0x1;
	[dreg:$0x2] =	wrdreg s4  }
0xaa: {  	[dreg:$0x3] =	wrdreg s6  }
0xab: {  	[dreg:$0x4] =	wrdreg $0xC0  }
0xac: {  	_ =	task [dreg:s8], $0x5FFFF  }
0xad: {  	[dreg:$0x1] =	wrdreg $0xFFFFFFFF  }
0xae: {  	[dreg:$0x0] =	wrdreg $0x60  }
0xaf: {  	[dreg:$0x2] =	wrdreg s18  }
0xb0: {  	[dreg:$0x3] =	wrdreg s2  }
0xb1: {  	[dreg:$0x4] =	wrdreg s24  }
0xb2: {  	[dreg:$0x5] =	wrdreg $0x41000  }
0xb3: {  	[dreg:$0x6] =	wrdreg $0x9  }
0xb4: {  	_ =	task.clear_ibuf [dreg:s8], $0x7FFFF;
	_ =	strace $0x9000004C  }
0xb5: {  	s29 =	simm.s32 $0x9;
	_ =	strace $0x8000004E  }
0xb6: {  	_ =	swait.ge [sflag:s29], $0x1  }
0xb7: {  	[sflag:s29] =	ssyncadd.s32 $0xFFFFFFFF  }
0xb8: {  	_ =	strace $0x9000004E  }
0xb9: {  	_ =	sfence  }
0xba: {  	s30 =	sld [smem:$0x0];
	_ =	sdelay $0x2  }
0xbb: {  	s31 =	sshll.u32 s1, $0xD;
	s1 =	sshrl.u32 s1, $0x2  }
0xbc: {  	s3 =	sand.u32 $0x4000, s31;
	s1 =	sadd.s32 s1, s30  }
0xbd: {  	s0 =	sor.u32 s3, s0;
	s1 =	sshll.u32 s1, $0x11  }
0xbe: {  	s0 =	sor.u32 s1, s0  }
0xbf: {  	s0 =	sadd.s32 $0x8F2B, s0  }
0xc0: {  	[sflag:s0] =	ssyncadd.remote.s32 $0x1  }
0xc1: {  	_ =	sfence.sel $0xFFFF  }
0xc2: {  	[dreg:$0x0] =	wrdreg $0xFFFFFFFF;
	(pc) =	sbr.abs _section_cstart, $3  }
0xc3: {  	[dreg:$0x1] =	wrdreg $0xFFFFFFFF  }
0xc4: {  	_ =	task.clear_ibuf [dreg:s8], $0x2FFFF;
	_ =	strace $0x9FFFFFFF  }
0xc5: {  	(tm) =	ssettm $0x7FFFFFFF  }
tec
execute0_lowered:
.L_overlay_start_1:
0x0: {  	(tag) =	ssettag $0x1  }
0x1: {  	s0 =	rddreg [dreg:$0x0]  }
0x2: {  	s13 =	rddreg [dreg:$0x1]  }
0x3: {  	s1 =	srdreg.scid;
	s5 =	rddreg [dreg:$0x2]  }
0x4: {  	s3 =	rddreg [dreg:$0x3];
	s9 =	sand.u32 $0x1, s1  }
0x5: {  	s1 =	stileid.u32;
	s6 =	smul.u32 $0x140000, s9  }
0x6: {  	s2 =	rddreg [dreg:$0x4];
	s4 =	simm.s32 $0x0;
	s7 =	smul.u32 $0x14000, s1  }
0x7: {  	s16 =	simm.s32 $0x80;
	s17 =	simm.s32 $0x1;
	s29 =	smul.u32 $0x50000, s1  }
0x8: {  	s20 =	simm.s32 $0x0;
	[smem:$0x7FF] =	sst s4;
	s14 =	smul.u32 $0x67000, s9  }
0x9: {  	_ =	strace $0x8000004D;
	s8 =	ssub.s32 $0x2, s9;
	s15 =	smul.u32 $0x6700, s1  }
0xa: {  	p0 =	seq.s32 s9, $0x0;
	s9 =	simm.s32 $0x67;
	s18 =	sshll.u32 s1, $0x6  }
0xb: {  	s30 =	sshrl.u32 s8, $0x1;
	s9 =	simm.s32 @!p0 $0x36;
	s18 =	sor.u32 $0x1C02, s18  }
0xc: {  	s6 =	sadd.s32 s7, s6;
	s31 =	sshrl.u32 s29, $0x2;
	s12 =	ssub.s32 s8, s30  }
0xd: {  	s14 =	sadd.s32 s15, s14;
	s15 =	simm.s32 $0x2;
	s6 =	sshrl.u32 s6, $0x3  }
0xe: {  	s12 =	smax.u32 s12, $0x1;
	s14 =	sshrl.u32 s14, $0x3;
	s11 =	sadd.s32 s6, s5  }
0xf: {  	s5 =	sadd.s32 s31, s3;
	s13 =	sadd.s32 s14, s13;
	s14 =	simm.s32 $0x100  }
0x10: {  	s6 =	sadd.s32 $0x4000, s5;
	s7 =	sadd.s32 $0x8000, s5;
	s8 =	sadd.s32 $0xC000, s5  }
0x11: {  	v0 =	vimm.f32 $0.0e+00;
	s10 =	sadd.s32 $0x10000, s5;
	s11 =	sadd.s32 $0x2A00, s11;
	s19 =	sshrl.u32 s5, $0x3  }
.LBB2_1:
0x12: {  	s21 =	simm.s32 $0x0;
	s22 =	simm.s32 $0x200  }
.LBB2_2:
0x13: {  	p0 =	sne.s32 s22, $0xFE00;
	[tilespmem:s21+$0x170] =	vst v0  }
0x14: {  	[tilespmem:s21+$0x100] =	vst v0  }
0x15: {  	[tilespmem:s21+$0x110] =	vst v0  }
.Ltmp0:
0x16: {  	[tilespmem:s21+$0x120] =	vst v0;
	(pc) =	sbr.rel @p0 .LBB2_2-.Ltmp0, $4  }
0x17: {  	[tilespmem:s21+$0x130] =	vst v0  }
0x18: {  	[tilespmem:s21+$0x140] =	vst v0  }
0x19: {  	[tilespmem:s21+$0x150] =	vst v0  }
0x1a: {  	[tilespmem:s21+$0x160] =	vst v0;
	s21 =	sshra.s32 s22, $0x2;
	s22 =	sadd.s32 $0x200, s22  }
0x1b: {  	[tilespmem:s21+$0x170] =	vst v0  }
0x1c: {  	[tilespmem:s21+$0x100] =	vst v0  }
0x1d: {  	[tilespmem:s21+$0x110] =	vst v0  }
0x1e: {  	[tilespmem:s21+$0x120] =	vst v0  }
0x1f: {  	[tilespmem:s21+$0x130] =	vst v0  }
0x20: {  	[tilespmem:s21+$0x140] =	vst v0  }
0x21: {  	[tilespmem:s21+$0x150] =	vst v0  }
0x22: {  	[tilespmem:s21+$0x160] =	vst v0  }
0x23: {  	[spmem:s5] =	stream.linear.scatter [tilespmem:s14], [sflag:$0x2], $0x4000, $0x38;
	[tilespmem:$0x18100] =	vst v63  }
0x24: {  	_ =	swait.ge [sflag:s15], $0x4000  }
0x25: {  	[sflag:s15] =	ssyncset.done $0x0  }
0x26: {  	[sflag:s15] =	ssyncadd.s32 $0xFFFFC000  }
0x27: {  	[spmem:s6] =	stream.linear.scatter [tilespmem:s14], [sflag:$0x2], $0x4000, $0x38;
	[tilespmem:$0x18100] =	vst v63  }
0x28: {  	_ =	swait.ge [sflag:s15], $0x4000  }
0x29: {  	[sflag:s15] =	ssyncset.done $0x0  }
0x2a: {  	[sflag:s15] =	ssyncadd.s32 $0xFFFFC000  }
0x2b: {  	[spmem:s7] =	stream.linear.scatter [tilespmem:s14], [sflag:$0x2], $0x4000, $0x38;
	[tilespmem:$0x18100] =	vst v63  }
0x2c: {  	_ =	swait.ge [sflag:s15], $0x4000  }
0x2d: {  	[sflag:s15] =	ssyncset.done $0x0  }
0x2e: {  	[sflag:s15] =	ssyncadd.s32 $0xFFFFC000  }
0x2f: {  	[spmem:s8] =	stream.linear.scatter [tilespmem:s14], [sflag:$0x2], $0x4000, $0x38;
	[tilespmem:$0x18100] =	vst v63  }
0x30: {  	_ =	swait.ge [sflag:s15], $0x4000  }
0x31: {  	[sflag:s15] =	ssyncset.done $0x0  }
0x32: {  	[sflag:s15] =	ssyncadd.s32 $0xFFFFC000  }
0x33: {  	[spmem:s10] =	stream.linear.scatter [tilespmem:s14], [sflag:$0x2], $0x4000, $0x38;
	[tilespmem:$0x18100] =	vst v63  }
0x34: {  	_ =	swait.ge [sflag:s15], $0x4000  }
0x35: {  	[sflag:s15] =	ssyncset.done $0x0  }
0x36: {  	[sflag:s15] =	ssyncadd.s32 $0xFFFFC000  }
0x37: {  	[bflag:$0x0] =	sbarrier.arrive $0xFFFF  }
0x38: {  	[tilespmem:s4], [sflag:$0x2] =	stream.linear.gather [hbm4b:s13+s4], $0x100, $0x38;
	[tilespmem:$0x18100] =	vst v63  }
0x39: {  	_ =	swait.ge [sflag:s15], $0x100  }
0x3a: {  	[sflag:s15] =	ssyncset.done $0x0  }
0x3b: {  	[sflag:s15] =	ssyncadd.s32 $0xFFFFFF00  }
0x3c: {  	[tilespmem:s14], [sflag:$0x1] =	stream.indirect.gather [hbm4b:s0+s16], $0x80, s4, s16, $0xb8;
	[tilespmem:$0x18100] =	vst v63  }
0x3d: {  	p0 =	sne.s32 s9, $0x1;
	_ =	swait.ge [sflag:s17], $0x4000  }
.Ltmp1:
0x3e: {  	[sflag:s17] =	ssyncset.done $0x0;
	(pc) =	sbr.rel @!p0 .LBB2_5-.Ltmp1, $4  }
0x3f: {  	[sflag:s17] =	ssyncadd.s32 $0xFFFFC000  }
0x40: {  	[spmem:s3] =	stream.indirect.scatter.add.f32 [tilespmem:s14], [sflag:$0x2], $0x80, s16, s16, $0xb8;
	[tilespmem:$0x18100] =	vst v63  }
0x41: {  	_ =	swait.ge [sflag:s15], $0x4000  }
0x42: {  	s21 =	sadd.s32 $0xFFFFFFFF, s9;
	s22 =	smov.u32 s13;
	[sflag:s15] =	ssyncset.done $0x0  }
.LBB2_4:
0x43: {  	p0 =	sne.s32 s21, $0x1;
	[sflag:s15] =	ssyncadd.s32 $0xFFFFC000;
	s22 =	sadd.s32 $0x20, s22  }
0x44: {  	[tilespmem:s4], [sflag:$0x2] =	stream.linear.gather [hbm4b:s22+s4], $0x100, $0x38;
	[tilespmem:$0x18100] =	vst v63  }
0x45: {  	s21 =	sadd.s32 $0xFFFFFFFF, s21;
	_ =	swait.ge [sflag:s15], $0x100  }
0x46: {  	[sflag:s15] =	ssyncset.done $0x0  }
0x47: {  	[sflag:s15] =	ssyncadd.s32 $0xFFFFFF00  }
0x48: {  	[tilespmem:s14], [sflag:$0x1] =	stream.indirect.gather [hbm4b:s0+s16], $0x80, s4, s16, $0xb8;
	[tilespmem:$0x18100] =	vst v63  }
0x49: {  	_ =	swait.ge [sflag:s17], $0x4000  }
.Ltmp2:
0x4a: {  	[sflag:s17] =	ssyncset.done $0x0;
	(pc) =	sbr.rel @p0 .LBB2_4-.Ltmp2, $4  }
0x4b: {  	[sflag:s17] =	ssyncadd.s32 $0xFFFFC000  }
0x4c: {  	[spmem:s3] =	stream.indirect.scatter.add.f32 [tilespmem:s14], [sflag:$0x2], $0x80, s16, s16, $0xb8;
	[tilespmem:$0x18100] =	vst v63  }
0x4d: {  	_ =	swait.ge [sflag:s15], $0x4000  }
0x4e: {  	[sflag:s15] =	ssyncset.done $0x0  }
.LBB2_5:
0x4f: {  	s20 =	sadd.s32 $0x1, s20  }
0x50: {  	[sflag:s15] =	ssyncadd.s32 $0xFFFFC000;
	p0 =	sne.s32 s20, s12  }
.Ltmp3:
0x51: {  	[bflag:$0x0] =	sbarrier.arrive $0xFFFF;
	(pc) =	sbr.rel @p0 .LBB2_1-.Ltmp3, $4  }
0x52: {  	[hbm:s11], [sflag:s18] =	dma.local [spmem:s19], $0x2800  }
0x53: {  	_ =	swait.ge [sflag:s15], $0x2800  }
0x54: {  	[sflag:s15] =	ssyncset.done $0x0  }
0x55: {  	[sflag:s15] =	ssyncadd.s32 $0xFFFFD800  }
0x56: {  	_ =	sfence.sel $0x180000  }
0x57: {  	[bflag:$0x0] =	sbarrier.arrive $0xFFFF  }
0x58: {  	p0 =	sne.s32 s1, $0x0;
	_ =	strace $0x9000004D  }
0x59: {  	s0 =	sadd.s32 @!p0 $0x100000, s2;
	[bflag:$0x2] =	sbarrier.arrive $0xFFFF  }
0x5a: {  	[sflag:s0] =	ssyncadd.tile.s32 @!p0 $0x1;
	_ =	shalt  }
.Lfunc_end2:
_tile_overlayer_lowered:
.L_overlay_start_2:
0x5b: {  	(tag) =	ssettag $0x2  }
0x5c: {  	s0 =	rddreg [dreg:$0x0];
	s2 =	stileid.u32  }
0x5d: {  	s1 =	rddreg [dreg:$0x1];
	p0 =	sne.s32 s2, $0x0  }
0x5e: {  	s3 =	rddreg [dreg:$0x2];
	[bflag:$0x3] =	sbarrier.arrive $0xFFFF;
	s2 =	simm.s32 @!p0 $0x1C02  }
0x5f: {  	[timem:s3], [sflag:s2] =	dma.local @!p0 [hbm:s0], s1  }
0x60: {  	s0 =	simm.s32 @!p0 $0x2  }
0x61: {  	_ =	swait.ge @!p0 [sflag:s0], s1  }
0x62: {  	s1 =	ssub.s32 @!p0 $0x0, s1;
	[sflag:s0] =	ssyncset.done @!p0 $0x0  }
0x63: {  	[sflag:s0] =	ssyncadd.s32 @!p0 s1  }
0x64: {  	[bflag:$0x3] =	sbarrier.arrive $0xFFFF  }
0x65: {  	_ =	shalt  }

// kernel: _run.8.cloned.1.call-start
scs
__scs_entry_jumppad:
0x0: {  	(pc) =	sbr.rel $0x88, $3  }
0x1: {  	(tag) =	ssettag $0x0;
	lr =	simm.s32 $0x1  }
0x2: {  	[smem:$0x3F9A] =	sst lr;
	_ =	strace $0xD0000000  }
0x3: {  	_ = 	snop  }
0x4: {  	_ = 	snop  }
0x5: {  	_ = 	snop  }
0x6: {  	_ = 	snop  }
0x7: {  	_ = 	snop  }
__scs_overlays_trampoline_lowered:
0x8: {  	[smem:$0x3FA9] =	sst s0  }
0x9: {  	[smem:$0x3FAA] =	sst s1  }
0xa: {  	[smem:$0x3FAB] =	sst s2  }
0xb: {  	[smem:$0x3FAC] =	sst s3  }
0xc: {  	[smem:$0x3FAD] =	sst s4  }
0xd: {  	[smem:$0x3FAE] =	sst s5  }
0xe: {  	[smem:$0x3FAF] =	sst s6  }
0xf: {  	[smem:$0x3FB0] =	sst s7  }
0x10: {  	[smem:$0x3FB1] =	sst s8  }
0x11: {  	[smem:$0x3FB2] =	sst s9;
	s0 =	simm.s32 @!p0 $0x0  }
0x12: {  	s1 =	sld [smem:$0x3F98];
	s0 =	simm.s32 @p0 $0x1  }
0x13: {  	[smem:$0x3FB3] =	sst s0;
	s0 =	simm.s32 @!p1 $0x0  }
0x14: {  	s2 =	sld [smem:$0x3F97];
	s0 =	simm.s32 @p1 $0x1  }
0x15: {  	[smem:$0x3FB4] =	sst s0;
	s0 =	simm.s32 @!p2 $0x0  }
0x16: {  	s3 =	sld [smem:$0x3FDB];
	s0 =	simm.s32 @p2 $0x1  }
0x17: {  	s4 =	simm.s32 $0x1BF5;
	[smem:$0x3FB6] =	sst s0  }
0x18: {  	s0 =	sld [smem:$0x3F99];
	_ =	swait.ge [sflag:s4], $0x0  }
0x19: {  	s7 =	sld [smem:$0x3F9A]  }
0x1a: {  	s8 =	sadd.s32 $0xFFFFE003, lr  }
0x1b: {  	s9 =	sadd.s32 $0xFFFFFEF7, lr;
	s5 =	simm.s32 $0xFFFFFFFF;
	p2 =	slt.u32 s8, $0xFFFFF086  }
0x1c: {  	p1 =	slt.u32 s9, $0xF7A;
	s5 =	simm.s32 @!p2 $0x0  }
0x1d: {  	s5 =	simm.s32 @p1 $0x1;
	p0 =	seq.s32 s7, s2  }
0x1e: {  	s7 =	smul.u32 @!p0 $0xF7A, s2;
	p2 =	seq.s32 @!p0 s5, $0x0  }
0x1f: {  	s9 =	smul.u32 $0xF7A, s1;
	s8 =	simm.s32 @!p0 $0x1BF5;
	p2 =	por !p2, p0  }
0x20: {  	[sflag:s8] =	ssyncset.s32 @!p0 $0xFFFFF086;
	s6 =	sadd.s32 @!p0 s3, s7;
	s7 =	simm.s32 @!p0 $0x108  }
0x21: {  	s3 =	sadd.s32 s3, s9;
	s6 =	sadd.s32 @!p0 $0x88, s6;
	s7 =	simm.s32 @p2 $0x1082  }
0x22: {  	[simem:s7], [sflag:s8] =	dma.local @!p0 [hbm:s6], $0xF7A  }
0x23: {  	s9 =	sor.u32 $0xD0000000, s2;
	s6 =	simm.s32 $0x108;
	_ =	swait.ge @!p0 [sflag:s8], $0x0  }
0x24: {  	s3 =	sadd.s32 $0x88, s3;
	s6 =	simm.s32 @!p1 $0x1082;
	[sflag:s4] =	ssyncset.s32 $0xFFFFF086  }
0x25: {  	[simem:s6], [sflag:s4] =	dma.local [hbm:s3], $0xF7A  }
0x26: {  	[smem:$0x3F9A] =	sst s1;
	(tag) =	ssettag s2;
	_ =	strace s9  }
0x27: {  	s1 =	sld [smem:$0x3FAA]  }
0x28: {  	s2 =	sld [smem:$0x3FAB]  }
0x29: {  	s4 =	sld [smem:$0x3FAD]  }
0x2a: {  	p0 =	seq.s32 s5, $0x0;
	s5 =	sld [smem:$0x3FAE]  }
0x2b: {  	s6 =	sld [smem:$0x3FAF]  }
0x2c: {  	s7 =	sld [smem:$0x3FB0]  }
0x2d: {  	s3 =	simm.s32 $0x108;
	s8 =	sld [smem:$0x3FB1]  }
0x2e: {  	s3 =	simm.s32 @!p0 $0x1082;
	s9 =	sld [smem:$0x3FB2]  }
0x2f: {  	lr =	sadd.s32 s0, s3;
	s0 =	sld [smem:$0x3FA9]  }
0x30: {  	s3 =	sld [smem:$0x3FAC]  }
0x31: {  	[smem:$0x3FB5] =	sst s10  }
0x32: {  	s10 =	sld [smem:$0x3FB3];
	_ =	sdelay $0x3  }
0x33: {  	p0 =	seq.s32 s10, $0x1;
	s10 =	sld [smem:$0x3FB5];
	_ =	sdelay $0x3  }
0x34: {  	[smem:$0x3FB5] =	sst s10  }
0x35: {  	s10 =	sld [smem:$0x3FB4];
	_ =	sdelay $0x3  }
0x36: {  	p1 =	seq.s32 s10, $0x1;
	s10 =	sld [smem:$0x3FB5];
	_ =	sdelay $0x3  }
0x37: {  	[smem:$0x3FB5] =	sst s10  }
0x38: {  	s10 =	sld [smem:$0x3FB6]  }
0x39: {  	_ = 	snop;
	(pc) =	sbr.ind lr, $3  }
0x3a: {  	_ = 	snop  }
0x3b: {  	_ = 	snop  }
0x3c: {  	p2 =	seq.s32 s10, $0x1;
	s10 =	sld [smem:$0x3FB5]  }
0x3d: {  	_ =	shalt  }
0x3e: {  	_ =	shalt  }
0x3f: {  	_ =	shalt  }
0x40: {  	_ =	shalt  }
0x41: {  	_ =	shalt  }
0x42: {  	_ =	shalt  }
0x43: {  	_ =	shalt  }
0x44: {  	_ =	shalt  }
0x45: {  	_ =	shalt  }
0x46: {  	_ =	shalt  }
0x47: {  	_ =	shalt  }
0x48: {  	_ =	shalt  }
0x49: {  	_ =	shalt  }
0x4a: {  	_ =	shalt  }
0x4b: {  	_ =	shalt  }
0x4c: {  	_ =	shalt  }
0x4d: {  	_ =	shalt  }
0x4e: {  	_ =	shalt  }
0x4f: {  	_ =	shalt  }
0x50: {  	_ =	shalt  }
0x51: {  	_ =	shalt  }
0x52: {  	_ =	shalt  }
0x53: {  	_ =	shalt  }
0x54: {  	_ =	shalt  }
0x55: {  	_ =	shalt  }
0x56: {  	_ =	shalt  }
0x57: {  	_ =	shalt  }
0x58: {  	_ =	shalt  }
0x59: {  	_ =	shalt  }
0x5a: {  	_ =	shalt  }
0x5b: {  	_ =	shalt  }
0x5c: {  	_ =	shalt  }
0x5d: {  	_ =	shalt  }
0x5e: {  	_ =	shalt  }
0x5f: {  	_ =	shalt  }
0x60: {  	_ =	shalt  }
0x61: {  	_ =	shalt  }
0x62: {  	_ =	shalt  }
0x63: {  	_ =	shalt  }
0x64: {  	_ =	shalt  }
0x65: {  	_ =	shalt  }
0x66: {  	_ =	shalt  }
0x67: {  	_ =	shalt  }
0x68: {  	_ =	shalt  }
0x69: {  	_ =	shalt  }
0x6a: {  	_ =	shalt  }
0x6b: {  	_ =	shalt  }
0x6c: {  	_ =	shalt  }
0x6d: {  	_ =	shalt  }
0x6e: {  	_ =	shalt  }
0x6f: {  	_ =	shalt  }
0x70: {  	_ =	shalt  }
0x71: {  	_ =	shalt  }
0x72: {  	_ =	shalt  }
0x73: {  	_ =	shalt  }
0x74: {  	_ =	shalt  }
0x75: {  	_ =	shalt  }
0x76: {  	_ =	shalt  }
0x77: {  	_ =	shalt  }
0x78: {  	_ =	shalt  }
0x79: {  	_ =	shalt  }
0x7a: {  	_ =	shalt  }
0x7b: {  	_ =	shalt  }
0x7c: {  	_ =	shalt  }
0x7d: {  	_ =	shalt  }
0x7e: {  	_ =	shalt  }
0x7f: {  	_ =	shalt  }
0x80: {  	_ =	shalt  }
0x81: {  	_ =	shalt  }
0x82: {  	_ =	shalt  }
0x83: {  	_ =	shalt  }
0x84: {  	_ =	shalt  }
0x85: {  	_ =	shalt  }
0x86: {  	_ =	shalt  }
0x87: {  	_ =	shalt  }
.Lfunc_end0:
.L_simem_size_0:
called_computation_lowered:
.L_overlay_start_0:
0x88: {  	s2 =	sld [smem:$0x3FD9]  }
0x89: {  	s3 =	sld [smem:$0x3FFE];
	_ =	sdelay $0x1  }
0x8a: {  	s1 =	srdreg.scid  }
0x8b: {  	s0 =	sand.u32 $0x1, s1  }
0x8c: {  	s17 =	sshll.u32 s0, $0xA;
	s2 =	sadd.s32 s3, s2  }
0x8d: {  	s2 =	sadd.s32 s2, s17  }
0x8e: {  	[smem:$0x3FC1] =	sst s2  }
0x8f: {  	_ = 	snop  }
0x90: {  	s2 =	sld [smem:$0x3FD0];
	(tm) =	ssettm $0x1  }
0x91: {  	s18 =	sld [smem:$0x3FFB];
	_ =	sdelay $0x3  }
0x92: {  	_ =	strace s18  }
0x93: {  	s3 =	sld [smem:$0x3FFC];
	_ =	sdelay $0x3  }
0x94: {  	_ =	strace s3  }
0x95: {  	s3 =	sld [smem:$0x3FFD];
	_ =	sdelay $0x3  }
0x96: {  	_ =	strace s3  }
0x97: {  	_ =	strace $0x8FFFFFFF  }
0x98: {  	s19 =	sld [smem:$0x3FDB];
	_ =	sdelay $0x1  }
0x99: {  	s4 =	simm.s32 $_scs_section_size  }
0x9a: {  	s5 =	simm.s32 $_size__tile_overlayer_lowered;
	s6 =	simm.s32 $_tile_overlayer_lowered  }
0x9b: {  	s22 =	simm.s32 $0x1BFF;
	s21 =	sshll.u32 s6, $0x1;
	s3 =	sadd.s32 s4, s19  }
0x9c: {  	s7 =	simm.s32 $0x0;
	s20 =	sshll.u32 s5, $0x1;
	s5 =	sadd.s32 s21, s3  }
0x9d: {  	[timem:s7], [sflag:s22] =	dma.local [hbm:s5], s20  }
0x9e: {  	_ =	swait.ge [sflag:s22], s20  }
0x9f: {  	s4 =	ssub.s32 $0x0, s20;
	[sflag:s22] =	ssyncset.done $0x0  }
0xa0: {  	[sflag:s22] =	ssyncadd.s32 s4;
	_ =	sdelay $0x1  }
0xa1: {  	s23 =	simm.s32 $0x1B8B  }
0xa2: {  	_ =	swait.ge [sflag:s23], $0x1  }
0xa3: {  	[sflag:s23] =	ssyncset.done $0x0  }
0xa4: {  	s25 =	simm.s32 $0x1B8E;
	s24 =	sld [smem:$0x3FFE];
	[sflag:s23] =	ssyncadd.s32 $0xFFFFFFFF  }
0xa5: {  	s26 =	simm.s32 $execute0_lowered;
	[smem:$0x3FD2] =	sst s25  }
0xa6: {  	s5 =	sshll.u32 s26, $0x1;
	_ =	strace $0x80000046;
	[dreg:$0x1] =	wrdreg $0xFFFFFFFF  }
0xa7: {  	s28 =	simm.s32 $_size_execute0_lowered;
	s3 =	sadd.s32 s3, s5;
	[dreg:$0x0] =	wrdreg $0x0  }
0xa8: {  	s5 =	sshll.u32 s28, $0x1;
	[dreg:$0x2] =	wrdreg s3  }
0xa9: {  	[dreg:$0x3] =	wrdreg s5  }
0xaa: {  	[dreg:$0x4] =	wrdreg $0xC0  }
0xab: {  	_ =	task [dreg:s7], $0x5FFFF  }
0xac: {  	[dreg:$0x1] =	wrdreg $0xFFFFFFFF  }
0xad: {  	[dreg:$0x0] =	wrdreg $0x60  }
0xae: {  	[dreg:$0x2] =	wrdreg s2  }
0xaf: {  	[dreg:$0x3] =	wrdreg s24  }
0xb0: {  	[dreg:$0x4] =	wrdreg $0x9  }
0xb1: {  	_ =	task.clear_ibuf [dreg:s7], $0x5FFFF;
	_ =	strace $0x90000046  }
0xb2: {  	s29 =	simm.s32 $0x9;
	_ =	strace $0x80000048  }
0xb3: {  	_ =	swait.ge [sflag:s29], $0x1  }
0xb4: {  	[sflag:s29] =	ssyncadd.s32 $0xFFFFFFFF  }
0xb5: {  	_ =	strace $0x90000048  }
0xb6: {  	_ =	sfence  }
0xb7: {  	s30 =	sld [smem:$0x0];
	_ =	sdelay $0x2  }
0xb8: {  	s31 =	sshll.u32 s1, $0xD;
	s1 =	sshrl.u32 s1, $0x2  }
0xb9: {  	s3 =	sand.u32 $0x4000, s31;
	s1 =	sadd.s32 s1, s30  }
0xba: {  	s0 =	sor.u32 s3, s0;
	s1 =	sshll.u32 s1, $0x11  }
0xbb: {  	s0 =	sor.u32 s1, s0  }
0xbc: {  	s0 =	sadd.s32 $0x8F2B, s0  }
0xbd: {  	[sflag:s0] =	ssyncadd.remote.s32 $0x1  }
0xbe: {  	_ =	sfence.sel $0xFFFF  }
0xbf: {  	[dreg:$0x0] =	wrdreg $0xFFFFFFFF;
	(pc) =	sbr.abs _section_cstart, $3  }
0xc0: {  	[dreg:$0x1] =	wrdreg $0xFFFFFFFF  }
0xc1: {  	_ =	task.clear_ibuf [dreg:s7], $0x2FFFF;
	_ =	strace $0x9FFFFFFF  }
0xc2: {  	(tm) =	ssettm $0x7FFFFFFF  }
0xc3: {  	_ =	shalt  }
tec
execute0_lowered:
.L_overlay_start_1:
0x0: {  	(tag) =	ssettag $0x1  }
0x1: {  	s0 =	srdreg.scid  }
0x2: {  	s3 =	sand.u32 $0x1, s0  }
0x3: {  	s4 =	rddreg [dreg:$0x0];
	s0 =	stileid.u32;
	s1 =	sshll.u32 s3, $0x4  }
0x4: {  	s5 =	rddreg [dreg:$0x1];
	s2 =	simm.s32 $0x0;
	s6 =	sor.u32 s0, s1  }
0x5: {  	s9 =	simm.s32 $0x400;
	[smem:$0x7FF] =	sst s2;
	s7 =	sshrl.u32 s6, $0x3  }
0x6: {  	s8 =	sshll.u32 s0, $0x7;
	s3 =	ssub.s32 $0x2, s3;
	s7 =	smul.u32 $0x14000, s7  }
0x7: {  	s1 =	rddreg [dreg:$0x2];
	s8 =	sand.u32 $0x380, s8;
	s6 =	smul.u32 $0x680, s6  }
0x8: {  	_ =	strace $0x80000047;
	s30 =	sshrl.u32 s3, $0x1;
	s7 =	sor.u32 s8, s7  }
0x9: {  	s31 =	ssub.s32 s3, s30;
	s3 =	sadd.s32 s4, s6;
	s7 =	sshrl.u32 s7, $0x3  }
0xa: {  	s6 =	simm.s32 $0x1;
	s8 =	simm.s32 $0x80;
	s5 =	sadd.s32 s7, s5  }
0xb: {  	v0 =	vimm.f32 $0.0e+00;
	v1 =	vimm.f32 $1.000000000e+00;
	s7 =	simm.s32 $0x3400;
	s4 =	sadd.s32 $0x2A00, s5;
	s5 =	smax.u32 s31, $0x1  }
.LBB2_1:
0xc: {  	s10 =	simm.s32 $0x40;
	s11 =	simm.s32 $0x0  }
.LBB2_2:
0xd: {  	p0 =	sne.s32 s10, $0x9FC0;
	[tilespmem:s11+$0x3400] =	vst v0;
	s11 =	smov.u32 s10;
	s10 =	sadd.s32 $0x40, s10  }
.Ltmp0:
0xe: {  	(pc) =	sbr.rel @p0 .LBB2_2-.Ltmp0, $2  }
0xf: {  	_ =	sdelay $0x2  }
0x10: {  	s11 =	sshra.s32 s11, $0x2  }
0x11: {  	[tilespmem:s11+$0x3400] =	vst v0;
	s10 =	simm.s32 $0x0  }
0x12: {  	[tilespmem:s10], [sflag:$0x1] =	stream.linear.gather [hbm4b:s3+s10], $0x3380, $0x38;
	[tilespmem:$0x5C00] =	vst v63  }
0x13: {  	s31 =	sand.u32 $0xFE00, s10;
	_ =	swait.ge [sflag:s6], $0x3380  }
0x14: {  	s10 =	sand.u32 $0x70, s10;
	s11 =	sshrl.u32 s31, $0x2;
	[sflag:s6] =	ssyncset.done $0x0  }
0x15: {  	s10 =	sor.u32 s10, s11;
	[sflag:s6] =	ssyncadd.s32 $0xFFFFCC80  }
0x16: {  	v2 =	vld [tilespmem:s10+$0x0];
	_ =	sdelay $0x4  }
0x17: {  	s12 =	simm.s32 $0x40  }
0x18: {  	s12 =	sand.u32 $0xFE00, s12;
	s11 =	simm.s32 $0x80;
	s10 =	simm.s32 $0x10  }
.LBB2_4:
0x19: {  	p0 =	sne.s32 s11, $0xCDC0;
	s13 =	sand.u32 $0x70, s10;
	s12 =	sshrl.u32 s12, $0x2  }
0x1a: {  	s12 =	sor.u32 s13, s12;
	[tilespmem:v2+s7+$0x0] =	vst.idx.add.f32.msk $0xffff, v1  }
0x1b: {  	v2 =	vld [tilespmem:s12+$0x0];
	_ =	sdelay $0x1  }
.Ltmp1:
0x1c: {  	(pc) =	sbr.rel @p0 .LBB2_4-.Ltmp1, $2  }
0x1d: {  	_ =	sdelay $0x2  }
0x1e: {  	s10 =	sadd.s32 $0x10, s10;
	s12 =	sand.u32 $0xFE00, s11;
	s11 =	sadd.s32 $0x40, s11  }
0x1f: {  	_ =	sdelay $0x2  }
0x20: {  	s10 =	sand.u32 $0x70, s10;
	s11 =	sshrl.u32 s12, $0x2  }
0x21: {  	[tilespmem:v2+s7+$0x0] =	vst.idx.add.f32.msk $0xffff, v1;
	s10 =	sor.u32 s10, s11  }
0x22: {  	v2 =	vld [tilespmem:s10+$0x0];
	_ =	sdelay $0x5  }
0x23: {  	s2 =	sadd.s32 $0x1, s2  }
0x24: {  	p0 =	sne.s32 s2, s5  }
.Ltmp2:
0x25: {  	[tilespmem:v2+s7+$0x0] =	vst.idx.add.f32.msk $0xffff, v1;
	(pc) =	sbr.rel @p0 .LBB2_1-.Ltmp2, $4  }
0x26: {  	[hbm4b:s4+s8] =	stream.strided.scatter [tilespmem:s7], [sflag:$0x1], $0x2800, s9, s8, $0x38;
	[tilespmem:$0x5C00] =	vst v63  }
0x27: {  	_ =	swait.ge [sflag:s6], $0x2800  }
0x28: {  	[sflag:s6] =	ssyncset.done $0x0  }
0x29: {  	[sflag:s6] =	ssyncadd.s32 $0xFFFFD800  }
0x2a: {  	_ =	sfence.sel $0x180000  }
0x2b: {  	[bflag:$0x0] =	sbarrier.arrive $0xFFFF  }
0x2c: {  	p0 =	sne.s32 s0, $0x0;
	_ =	strace $0x90000047  }
0x2d: {  	s0 =	sadd.s32 @!p0 $0x100000, s1;
	[bflag:$0x2] =	sbarrier.arrive $0xFFFF  }
0x2e: {  	[sflag:s0] =	ssyncadd.tile.s32 @!p0 $0x1;
	_ =	shalt  }
.Lfunc_end2:
_tile_overlayer_lowered:
.L_overlay_start_2:
0x2f: {  	(tag) =	ssettag $0x2  }
0x30: {  	s0 =	rddreg [dreg:$0x0];
	s2 =	stileid.u32  }
0x31: {  	s1 =	rddreg [dreg:$0x1];
	p0 =	sne.s32 s2, $0x0  }
0x32: {  	s3 =	rddreg [dreg:$0x2];
	[bflag:$0x3] =	sbarrier.arrive $0xFFFF;
	s2 =	simm.s32 @!p0 $0x1C01  }
0x33: {  	[timem:s3], [sflag:s2] =	dma.local @!p0 [hbm:s0], s1  }
0x34: {  	s0 =	simm.s32 @!p0 $0x1  }
0x35: {  	_ =	swait.ge @!p0 [sflag:s0], s1  }
0x36: {  	s1 =	ssub.s32 @!p0 $0x0, s1;
	[sflag:s0] =	ssyncset.done @!p0 $0x0  }
0x37: {  	[sflag:s0] =	ssyncadd.s32 @!p0 s1  }
0x38: {  	[bflag:$0x3] =	sbarrier.arrive $0xFFFF  }
0x39: {  	_ =	shalt  }

</sc_bundles>
